<compile_context>
chip_gen: v7x
topology: tpu7x:2x2x1
jax: 0.10.2.dev20260603
libtpu: 0.0.44.dev20260713+nightly
codegen_flags: <defaults>
</compile_context>

<pallas_src>
import functools

import jax
import jax.numpy as jnp
from jax import lax
from jax.experimental import pallas as pl
from jax.experimental.pallas import tpu as pltpu
from jax.experimental.pallas import tpu_sc as plsc

DIM = 32

_info = plsc.get_sparse_core_info()
_NC, _NS = _info.num_cores, _info.num_subcores
NW = _NC * _NS


def _make_gather(B: int, chunk: int, nbuf: int):
    b_per_w = B // NW
    n_chunks = b_per_w // chunk
    n_outer = n_chunks // nbuf
    assert b_per_w % chunk == 0 and n_chunks % nbuf == 0 and n_outer >= 3
    mesh = plsc.VectorSubcoreMesh(core_axis_name="c", subcore_axis_name="s")

    @functools.partial(
        pl.kernel,
        mesh=mesh,
        out_type=jax.ShapeDtypeStruct((B, DIM), jnp.float32),
        scratch_types=[
            pltpu.VMEM((nbuf, chunk), jnp.int32),
            pltpu.VMEM((nbuf, chunk, DIM), jnp.float32),
        ]
        + [pltpu.SemaphoreType.DMA] * (3 * nbuf),
        compiler_params=pltpu.CompilerParams(use_tc_tiling_on_sc=False),
    )
    def gather_kernel(idx_hbm, table_hbm, out_hbm, idx_v, rows_v, *sems):
        isem = sems[0:nbuf]
        gsem = sems[nbuf : 2 * nbuf]
        osem = sems[2 * nbuf : 3 * nbuf]
        wid = lax.axis_index("s") * _NC + lax.axis_index("c")
        base = wid * b_per_w

        def idx_start(c, b):
            pltpu.async_copy(
                idx_hbm.at[pl.ds(base + c * chunk, chunk)], idx_v.at[b], isem[b]
            )

        def idx_wait(b):
            pltpu.make_async_copy(
                idx_hbm.at[pl.ds(0, chunk)], idx_v.at[b], isem[b]
            ).wait()

        def gather_start(b):
            pltpu.async_copy(table_hbm.at[idx_v.at[b]], rows_v.at[b], gsem[b])

        def gather_wait(b):
            pltpu.make_async_copy(
                table_hbm.at[idx_v.at[b]], rows_v.at[b], gsem[b]
            ).wait()

        def out_start(c, b):
            pltpu.async_copy(
                rows_v.at[b], out_hbm.at[pl.ds(base + c * chunk, chunk)], osem[b]
            )

        def out_wait(b):
            pltpu.make_async_copy(
                rows_v.at[b], out_hbm.at[pl.ds(0, chunk)], osem[b]
            ).wait()

        for b in range(nbuf):
            idx_start(b, b)
        idx_wait(0)
        gather_start(0)

        for b in range(1, nbuf):
            idx_wait(b)
            gather_start(b)
            gather_wait(b - 1)
            out_start(b - 1, b - 1)
            idx_start(b - 1 + nbuf, b - 1)

        def outer(o, carry):
            for b in range(nbuf):
                g = o * nbuf + b
                bp = (b - 1) % nbuf
                idx_wait(b)
                out_wait(b)
                gather_start(b)
                gather_wait(bp)
                out_start(g - 1, bp)
                idx_start(g - 1 + nbuf, bp)
            return carry

        lax.fori_loop(1, n_outer - 1, outer, 0)

        for b in range(nbuf):
            g = (n_outer - 1) * nbuf + b
            bp = (b - 1) % nbuf
            idx_wait(b)
            out_wait(b)
            gather_start(b)
            gather_wait(bp)
            out_start(g - 1, bp)
            if b == 0:
                idx_start(g - 1 + nbuf, bp)

        blast = nbuf - 1
        gather_wait(blast)
        out_start(n_chunks - 1, blast)
        for b in range(nbuf):
            out_wait(b)

    return gather_kernel


def kernel(token_ids, embedding_table):
    n_seq, n_pos = token_ids.shape
    B = n_seq * n_pos
    idx = token_ids.T.reshape(B).astype(jnp.int32)
    out = _make_gather(B, 800, 4)(idx, embedding_table)
    return out.reshape(n_pos, n_seq, DIM).transpose(1, 0, 2)

# --- scband reference (transcript-rebuilt; emitter-appended) ---
"""Pipeline reference for scband-embedding-72636486910609 (READ-ONLY COPY).

The authoritative reference and input builder live on the scoring server;
editing this copy changes nothing except your own understanding.
"""

import jax, jax.numpy as jnp
import numpy as np

NUM_EMBEDDINGS = 1000000
EMBEDDING_DIM = 32

def setup_inputs(seed: int = 0) -> dict:
    key = jax.random.key(seed)
    k1, k2 = jax.random.split(key)
    token_ids = jax.random.randint(k1, (16384, 200), 0, NUM_EMBEDDINGS, dtype=jnp.int64 if jax.config.jax_enable_x64 else jnp.int32).astype(jnp.int32)
    # trunc_normal_(mean=0, std=1, a=-3, b=3)
    embedding_table = jax.random.truncated_normal(k2, -3.0, 3.0, (NUM_EMBEDDINGS, EMBEDDING_DIM), dtype=jnp.float32)
    return {"token_ids": token_ids, "embedding_table": embedding_table}

def reference(token_ids, embedding_table):
    # Faithful to torch: indices cast to long, then table[indices]
    idx = token_ids.astype(jnp.int32)
    return jnp.take(embedding_table, idx, axis=0)

if __name__ == "__main__":
    import jax
    _d = setup_inputs()
    print(jax.jit(kernel)(*tuple(_d.values())))

</pallas_src>

<mosaic_0001>
#map = affine_map<(d0, d1) -> (0)>
#map1 = affine_map<(d0, d1) -> (0, 0)>
module attributes {stable_mosaic.version = 14 : i64} {
  func.func @gather_kernel(%arg0: i32, %arg1: i32, %arg2: memref<3276800xi32, #tpu.memory_space<hbm>>, %arg3: memref<1000000x32xf32, #tpu.memory_space<hbm>>, %arg4: memref<3276800x32xf32, #tpu.memory_space<hbm>>, %arg5: memref<4x800xi32, #tpu.memory_space<vmem>>, %arg6: memref<4x800x32xf32, #tpu.memory_space<vmem>>, %arg7: memref<!tpu.dma_semaphore, #tpu.memory_space<semaphore_mem>>, %arg8: memref<!tpu.dma_semaphore, #tpu.memory_space<semaphore_mem>>, %arg9: memref<!tpu.dma_semaphore, #tpu.memory_space<semaphore_mem>>, %arg10: memref<!tpu.dma_semaphore, #tpu.memory_space<semaphore_mem>>, %arg11: memref<!tpu.dma_semaphore, #tpu.memory_space<semaphore_mem>>, %arg12: memref<!tpu.dma_semaphore, #tpu.memory_space<semaphore_mem>>, %arg13: memref<!tpu.dma_semaphore, #tpu.memory_space<semaphore_mem>>, %arg14: memref<!tpu.dma_semaphore, #tpu.memory_space<semaphore_mem>>, %arg15: memref<!tpu.dma_semaphore, #tpu.memory_space<semaphore_mem>>, %arg16: memref<!tpu.dma_semaphore, #tpu.memory_space<semaphore_mem>>, %arg17: memref<!tpu.dma_semaphore, #tpu.memory_space<semaphore_mem>>, %arg18: memref<!tpu.dma_semaphore, #tpu.memory_space<semaphore_mem>>) attributes {dimension_semantics = [#tpu.dimension_semantics<core_parallel>, #tpu.dimension_semantics<subcore_parallel>], iteration_bounds = array<i64: 2, 16>, scalar_prefetch = 0 : i64, scratch_operands = 14 : i64, tpu.core_type = #tpu.core_type<sc_vector_subcore>, window_params = [{transform_indices = #map}, {transform_indices = #map1}, {transform_indices = #map1}]} {
    %mul3A = arith.constant 2 : i32
    %mul3A_0 = arith.muli %arg1, %mul3A : i32
    %add3A = arith.addi %mul3A_0, %arg0 : i32
    %mul3A_1 = arith.constant 102400 : i32
    %mul3A_2 = arith.muli %add3A, %mul3A_1 : i32
    %add3A_3 = arith.constant 0 : i32
    %add3A_4 = arith.addi %mul3A_2, %add3A_3 : i32
    %dma_start3A = arith.constant 0 : i32
    %dma_start3A_5 = arith.constant 0 : i32
    %dma_start3A_6 = tpu.memref_slice %arg5[%dma_start3A, %dma_start3A_5] : memref<4x800xi32, #tpu.memory_space<vmem>> -> memref<1x800xi32, #tpu.memory_space<vmem>>
    %dma_start3A_7 = tpu.memref_squeeze %dma_start3A_6 : memref<1x800xi32, #tpu.memory_space<vmem>> -> memref<800xi32, #tpu.memory_space<vmem>>
    %dma_start3A_8 = tpu.memref_slice %arg2[%add3A_4] : memref<3276800xi32, #tpu.memory_space<hbm>> -> memref<800xi32, #tpu.memory_space<hbm>>
    %dma_start3A_9 = arith.constant 0 : i32
    %dma_start3A_10 = tpu.memref_slice %arg5[%dma_start3A, %dma_start3A_9] : memref<4x800xi32, #tpu.memory_space<vmem>> -> memref<1x800xi32, #tpu.memory_space<vmem>>
    %dma_start3A_11 = tpu.memref_squeeze %dma_start3A_10 : memref<1x800xi32, #tpu.memory_space<vmem>> -> memref<800xi32, #tpu.memory_space<vmem>>
    %dma_start3A_12 = tpu.memref_slice %arg2[%add3A_4] : memref<3276800xi32, #tpu.memory_space<hbm>> -> memref<800xi32, #tpu.memory_space<hbm>>
    tpu.enqueue_dma source(%dma_start3A_12 : memref<800xi32, #tpu.memory_space<hbm>>) target(%dma_start3A_11 : memref<800xi32, #tpu.memory_space<vmem>>) target_semaphore(%arg7 : memref<!tpu.dma_semaphore, #tpu.memory_space<semaphore_mem>>)
    %add3A_13 = arith.constant 800 : i32
    %add3A_14 = arith.addi %mul3A_2, %add3A_13 : i32
    %dma_start3A_15 = arith.constant 1 : i32
    %dma_start3A_16 = arith.constant 0 : i32
    %dma_start3A_17 = tpu.memref_slice %arg5[%dma_start3A_15, %dma_start3A_16] : memref<4x800xi32, #tpu.memory_space<vmem>> -> memref<1x800xi32, #tpu.memory_space<vmem>>
    %dma_start3A_18 = tpu.memref_squeeze %dma_start3A_17 : memref<1x800xi32, #tpu.memory_space<vmem>> -> memref<800xi32, #tpu.memory_space<vmem>>
    %dma_start3A_19 = tpu.memref_slice %arg2[%add3A_14] : memref<3276800xi32, #tpu.memory_space<hbm>> -> memref<800xi32, #tpu.memory_space<hbm>>
    %dma_start3A_20 = arith.constant 0 : i32
    %dma_start3A_21 = tpu.memref_slice %arg5[%dma_start3A_15, %dma_start3A_20] : memref<4x800xi32, #tpu.memory_space<vmem>> -> memref<1x800xi32, #tpu.memory_space<vmem>>
    %dma_start3A_22 = tpu.memref_squeeze %dma_start3A_21 : memref<1x800xi32, #tpu.memory_space<vmem>> -> memref<800xi32, #tpu.memory_space<vmem>>
    %dma_start3A_23 = tpu.memref_slice %arg2[%add3A_14] : memref<3276800xi32, #tpu.memory_space<hbm>> -> memref<800xi32, #tpu.memory_space<hbm>>
    tpu.enqueue_dma source(%dma_start3A_23 : memref<800xi32, #tpu.memory_space<hbm>>) target(%dma_start3A_22 : memref<800xi32, #tpu.memory_space<vmem>>) target_semaphore(%arg8 : memref<!tpu.dma_semaphore, #tpu.memory_space<semaphore_mem>>)
    %add3A_24 = arith.constant 1600 : i32
    %add3A_25 = arith.addi %mul3A_2, %add3A_24 : i32
    %dma_start3A_26 = arith.constant 2 : i32
    %dma_start3A_27 = arith.constant 0 : i32
    %dma_start3A_28 = tpu.memref_slice %arg5[%dma_start3A_26, %dma_start3A_27] : memref<4x800xi32, #tpu.memory_space<vmem>> -> memref<1x800xi32, #tpu.memory_space<vmem>>
    %dma_start3A_29 = tpu.memref_squeeze %dma_start3A_28 : memref<1x800xi32, #tpu.memory_space<vmem>> -> memref<800xi32, #tpu.memory_space<vmem>>
    %dma_start3A_30 = tpu.memref_slice %arg2[%add3A_25] : memref<3276800xi32, #tpu.memory_space<hbm>> -> memref<800xi32, #tpu.memory_space<hbm>>
    %dma_start3A_31 = arith.constant 0 : i32
    %dma_start3A_32 = tpu.memref_slice %arg5[%dma_start3A_26, %dma_start3A_31] : memref<4x800xi32, #tpu.memory_space<vmem>> -> memref<1x800xi32, #tpu.memory_space<vmem>>
    %dma_start3A_33 = tpu.memref_squeeze %dma_start3A_32 : memref<1x800xi32, #tpu.memory_space<vmem>> -> memref<800xi32, #tpu.memory_space<vmem>>
    %dma_start3A_34 = tpu.memref_slice %arg2[%add3A_25] : memref<3276800xi32, #tpu.memory_space<hbm>> -> memref<800xi32, #tpu.memory_space<hbm>>
    tpu.enqueue_dma source(%dma_start3A_34 : memref<800xi32, #tpu.memory_space<hbm>>) target(%dma_start3A_33 : memref<800xi32, #tpu.memory_space<vmem>>) target_semaphore(%arg9 : memref<!tpu.dma_semaphore, #tpu.memory_space<semaphore_mem>>)
    %add3A_35 = arith.constant 2400 : i32
    %add3A_36 = arith.addi %mul3A_2, %add3A_35 : i32
    %dma_start3A_37 = arith.constant 3 : i32
    %dma_start3A_38 = arith.constant 0 : i32
    %dma_start3A_39 = tpu.memref_slice %arg5[%dma_start3A_37, %dma_start3A_38] : memref<4x800xi32, #tpu.memory_space<vmem>> -> memref<1x800xi32, #tpu.memory_space<vmem>>
    %dma_start3A_40 = tpu.memref_squeeze %dma_start3A_39 : memref<1x800xi32, #tpu.memory_space<vmem>> -> memref<800xi32, #tpu.memory_space<vmem>>
    %dma_start3A_41 = tpu.memref_slice %arg2[%add3A_36] : memref<3276800xi32, #tpu.memory_space<hbm>> -> memref<800xi32, #tpu.memory_space<hbm>>
    %dma_start3A_42 = arith.constant 0 : i32
    %dma_start3A_43 = tpu.memref_slice %arg5[%dma_start3A_37, %dma_start3A_42] : memref<4x800xi32, #tpu.memory_space<vmem>> -> memref<1x800xi32, #tpu.memory_space<vmem>>
    %dma_start3A_44 = tpu.memref_squeeze %dma_start3A_43 : memref<1x800xi32, #tpu.memory_space<vmem>> -> memref<800xi32, #tpu.memory_space<vmem>>
    %dma_start3A_45 = tpu.memref_slice %arg2[%add3A_36] : memref<3276800xi32, #tpu.memory_space<hbm>> -> memref<800xi32, #tpu.memory_space<hbm>>
    tpu.enqueue_dma source(%dma_start3A_45 : memref<800xi32, #tpu.memory_space<hbm>>) target(%dma_start3A_44 : memref<800xi32, #tpu.memory_space<vmem>>) target_semaphore(%arg10 : memref<!tpu.dma_semaphore, #tpu.memory_space<semaphore_mem>>)
    %dma_wait3A = arith.constant 0 : i32
    %dma_wait3A_46 = arith.constant 0 : i32
    %dma_wait3A_47 = tpu.memref_slice %arg5[%dma_wait3A, %dma_wait3A_46] : memref<4x800xi32, #tpu.memory_space<vmem>> -> memref<1x800xi32, #tpu.memory_space<vmem>>
    %dma_wait3A_48 = tpu.memref_squeeze %dma_wait3A_47 : memref<1x800xi32, #tpu.memory_space<vmem>> -> memref<800xi32, #tpu.memory_space<vmem>>
    %dma_wait3A_49 = arith.constant 0 : i32
    %dma_wait3A_50 = tpu.memref_slice %arg2[%dma_wait3A_49] : memref<3276800xi32, #tpu.memory_space<hbm>> -> memref<800xi32, #tpu.memory_space<hbm>>
    %dma_wait3A_51 = arith.constant 0 : i32
    %dma_wait3A_52 = tpu.memref_slice %arg5[%dma_wait3A, %dma_wait3A_51] : memref<4x800xi32, #tpu.memory_space<vmem>> -> memref<1x800xi32, #tpu.memory_space<vmem>>
    %dma_wait3A_53 = tpu.memref_squeeze %dma_wait3A_52 : memref<1x800xi32, #tpu.memory_space<vmem>> -> memref<800xi32, #tpu.memory_space<vmem>>
    %dma_wait3A_54 = arith.constant 0 : i32
    %dma_wait3A_55 = tpu.memref_slice %arg2[%dma_wait3A_54] : memref<3276800xi32, #tpu.memory_space<hbm>> -> memref<800xi32, #tpu.memory_space<hbm>>
    tpu.wait_dma2 semaphore(%arg7 : memref<!tpu.dma_semaphore, #tpu.memory_space<semaphore_mem>>) src(%dma_wait3A_55 : memref<800xi32, #tpu.memory_space<hbm>>) dst(%dma_wait3A_53 : memref<800xi32, #tpu.memory_space<vmem>>)
    %dma_start3A_56 = arith.constant 0 : i32
    %dma_start3A_57 = arith.constant 0 : i32
    %dma_start3A_58 = arith.constant 0 : i32
    %dma_start3A_59 = arith.constant 0 : i32
    %dma_start3A_60 = tpu.memref_slice %arg6[%dma_start3A_57, %dma_start3A_58, %dma_start3A_59] : memref<4x800x32xf32, #tpu.memory_space<vmem>> -> memref<1x800x32xf32, #tpu.memory_space<vmem>>
    %dma_start3A_61 = tpu.memref_squeeze %dma_start3A_60 : memref<1x800x32xf32, #tpu.memory_space<vmem>> -> memref<800x32xf32, #tpu.memory_space<vmem>>
    %dma_start3A_62 = arith.constant 0 : i32
    %dma_start3A_63 = tpu.memref_slice %arg5[%dma_start3A_56, %dma_start3A_62] : memref<4x800xi32, #tpu.memory_space<vmem>> -> memref<1x800xi32, #tpu.memory_space<vmem>>
    %dma_start3A_64 = tpu.memref_squeeze %dma_start3A_63 : memref<1x800xi32, #tpu.memory_space<vmem>> -> memref<800xi32, #tpu.memory_space<vmem>>
    %dma_start3A_65 = arith.constant 0 : i32
    %dma_start3A_66 = arith.constant 0 : i32
    %dma_start3A_67 = tpu.memref_slice %arg3[%dma_start3A_65, %dma_start3A_66] : memref<1000000x32xf32, #tpu.memory_space<hbm>> -> memref<1000000x32xf32, #tpu.memory_space<hbm>>
    tpu.enqueue_indirect_dma source(%dma_start3A_67 : memref<1000000x32xf32, #tpu.memory_space<hbm>>) target(%dma_start3A_61 : memref<800x32xf32, #tpu.memory_space<vmem>>) offsets(%dma_start3A_64 : memref<800xi32, #tpu.memory_space<vmem>>) semaphore(%arg11 : memref<!tpu.dma_semaphore, #tpu.memory_space<semaphore_mem>>)
    %dma_wait3A_68 = arith.constant 1 : i32
    %dma_wait3A_69 = arith.constant 0 : i32
    %dma_wait3A_70 = tpu.memref_slice %arg5[%dma_wait3A_68, %dma_wait3A_69] : memref<4x800xi32, #tpu.memory_space<vmem>> -> memref<1x800xi32, #tpu.memory_space<vmem>>
    %dma_wait3A_71 = tpu.memref_squeeze %dma_wait3A_70 : memref<1x800xi32, #tpu.memory_space<vmem>> -> memref<800xi32, #tpu.memory_space<vmem>>
    %dma_wait3A_72 = arith.constant 0 : i32
    %dma_wait3A_73 = tpu.memref_slice %arg2[%dma_wait3A_72] : memref<3276800xi32, #tpu.memory_space<hbm>> -> memref<800xi32, #tpu.memory_space<hbm>>
    %dma_wait3A_74 = arith.constant 0 : i32
    %dma_wait3A_75 = tpu.memref_slice %arg5[%dma_wait3A_68, %dma_wait3A_74] : memref<4x800xi32, #tpu.memory_space<vmem>> -> memref<1x800xi32, #tpu.memory_space<vmem>>
    %dma_wait3A_76 = tpu.memref_squeeze %dma_wait3A_75 : memref<1x800xi32, #tpu.memory_space<vmem>> -> memref<800xi32, #tpu.memory_space<vmem>>
    %dma_wait3A_77 = arith.constant 0 : i32
    %dma_wait3A_78 = tpu.memref_slice %arg2[%dma_wait3A_77] : memref<3276800xi32, #tpu.memory_space<hbm>> -> memref<800xi32, #tpu.memory_space<hbm>>
    tpu.wait_dma2 semaphore(%arg8 : memref<!tpu.dma_semaphore, #tpu.memory_space<semaphore_mem>>) src(%dma_wait3A_78 : memref<800xi32, #tpu.memory_space<hbm>>) dst(%dma_wait3A_76 : memref<800xi32, #tpu.memory_space<vmem>>)
    %dma_start3A_79 = arith.constant 1 : i32
    %dma_start3A_80 = arith.constant 1 : i32
    %dma_start3A_81 = arith.constant 0 : i32
    %dma_start3A_82 = arith.constant 0 : i32
    %dma_start3A_83 = tpu.memref_slice %arg6[%dma_start3A_80, %dma_start3A_81, %dma_start3A_82] : memref<4x800x32xf32, #tpu.memory_space<vmem>> -> memref<1x800x32xf32, #tpu.memory_space<vmem>>
    %dma_start3A_84 = tpu.memref_squeeze %dma_start3A_83 : memref<1x800x32xf32, #tpu.memory_space<vmem>> -> memref<800x32xf32, #tpu.memory_space<vmem>>
    %dma_start3A_85 = arith.constant 0 : i32
    %dma_start3A_86 = tpu.memref_slice %arg5[%dma_start3A_79, %dma_start3A_85] : memref<4x800xi32, #tpu.memory_space<vmem>> -> memref<1x800xi32, #tpu.memory_space<vmem>>
    %dma_start3A_87 = tpu.memref_squeeze %dma_start3A_86 : memref<1x800xi32, #tpu.memory_space<vmem>> -> memref<800xi32, #tpu.memory_space<vmem>>
    %dma_start3A_88 = arith.constant 0 : i32
    %dma_start3A_89 = arith.constant 0 : i32
    %dma_start3A_90 = tpu.memref_slice %arg3[%dma_start3A_88, %dma_start3A_89] : memref<1000000x32xf32, #tpu.memory_space<hbm>> -> memref<1000000x32xf32, #tpu.memory_space<hbm>>
    tpu.enqueue_indirect_dma source(%dma_start3A_90 : memref<1000000x32xf32, #tpu.memory_space<hbm>>) target(%dma_start3A_84 : memref<800x32xf32, #tpu.memory_space<vmem>>) offsets(%dma_start3A_87 : memref<800xi32, #tpu.memory_space<vmem>>) semaphore(%arg12 : memref<!tpu.dma_semaphore, #tpu.memory_space<semaphore_mem>>)
    %dma_wait3A_91 = arith.constant 0 : i32
    %dma_wait3A_92 = arith.constant 0 : i32
    %dma_wait3A_93 = arith.constant 0 : i32
    %dma_wait3A_94 = arith.constant 0 : i32
    %dma_wait3A_95 = tpu.memref_slice %arg6[%dma_wait3A_92, %dma_wait3A_93, %dma_wait3A_94] : memref<4x800x32xf32, #tpu.memory_space<vmem>> -> memref<1x800x32xf32, #tpu.memory_space<vmem>>
    %dma_wait3A_96 = tpu.memref_squeeze %dma_wait3A_95 : memref<1x800x32xf32, #tpu.memory_space<vmem>> -> memref<800x32xf32, #tpu.memory_space<vmem>>
    %dma_wait3A_97 = arith.constant 0 : i32
    %dma_wait3A_98 = tpu.memref_slice %arg5[%dma_wait3A_91, %dma_wait3A_97] : memref<4x800xi32, #tpu.memory_space<vmem>> -> memref<1x800xi32, #tpu.memory_space<vmem>>
    %dma_wait3A_99 = tpu.memref_squeeze %dma_wait3A_98 : memref<1x800xi32, #tpu.memory_space<vmem>> -> memref<800xi32, #tpu.memory_space<vmem>>
    %dma_wait3A_100 = arith.constant 0 : i32
    %dma_wait3A_101 = arith.constant 0 : i32
    %dma_wait3A_102 = tpu.memref_slice %arg3[%dma_wait3A_100, %dma_wait3A_101] : memref<1000000x32xf32, #tpu.memory_space<hbm>> -> memref<1000000x32xf32, #tpu.memory_space<hbm>>
    tpu.wait_indirect_dma semaphore(%arg11 : memref<!tpu.dma_semaphore, #tpu.memory_space<semaphore_mem>>) src(%dma_wait3A_102 : memref<1000000x32xf32, #tpu.memory_space<hbm>>) dst(%dma_wait3A_96 : memref<800x32xf32, #tpu.memory_space<vmem>>)
    %add3A_103 = arith.constant 0 : i32
    %add3A_104 = arith.addi %mul3A_2, %add3A_103 : i32
    %dma_start3A_105 = arith.constant 0 : i32
    %dma_start3A_106 = arith.constant 0 : i32
    %dma_start3A_107 = arith.constant 0 : i32
    %dma_start3A_108 = tpu.memref_slice %arg6[%dma_start3A_105, %dma_start3A_106, %dma_start3A_107] : memref<4x800x32xf32, #tpu.memory_space<vmem>> -> memref<1x800x32xf32, #tpu.memory_space<vmem>>
    %dma_start3A_109 = tpu.memref_squeeze %dma_start3A_108 : memref<1x800x32xf32, #tpu.memory_space<vmem>> -> memref<800x32xf32, #tpu.memory_space<vmem>>
    %dma_start3A_110 = arith.constant 0 : i32
    %dma_start3A_111 = tpu.memref_slice %arg4[%add3A_104, %dma_start3A_110] : memref<3276800x32xf32, #tpu.memory_space<hbm>> -> memref<800x32xf32, #tpu.memory_space<hbm>>
    %dma_start3A_112 = arith.constant 0 : i32
    %dma_start3A_113 = tpu.memref_slice %arg4[%add3A_104, %dma_start3A_112] : memref<3276800x32xf32, #tpu.memory_space<hbm>> -> memref<800x32xf32, #tpu.memory_space<hbm>>
    %dma_start3A_114 = arith.constant 0 : i32
    %dma_start3A_115 = arith.constant 0 : i32
    %dma_start3A_116 = tpu.memref_slice %arg6[%dma_start3A_105, %dma_start3A_114, %dma_start3A_115] : memref<4x800x32xf32, #tpu.memory_space<vmem>> -> memref<1x800x32xf32, #tpu.memory_space<vmem>>
    %dma_start3A_117 = tpu.memref_squeeze %dma_start3A_116 : memref<1x800x32xf32, #tpu.memory_space<vmem>> -> memref<800x32xf32, #tpu.memory_space<vmem>>
    tpu.enqueue_dma source(%dma_start3A_117 : memref<800x32xf32, #tpu.memory_space<vmem>>) target(%dma_start3A_113 : memref<800x32xf32, #tpu.memory_space<hbm>>) target_semaphore(%arg15 : memref<!tpu.dma_semaphore, #tpu.memory_space<semaphore_mem>>)
    %add3A_118 = arith.constant 3200 : i32
    %add3A_119 = arith.addi %mul3A_2, %add3A_118 : i32
    %dma_start3A_120 = arith.constant 0 : i32
    %dma_start3A_121 = arith.constant 0 : i32
    %dma_start3A_122 = tpu.memref_slice %arg5[%dma_start3A_120, %dma_start3A_121] : memref<4x800xi32, #tpu.memory_space<vmem>> -> memref<1x800xi32, #tpu.memory_space<vmem>>
    %dma_start3A_123 = tpu.memref_squeeze %dma_start3A_122 : memref<1x800xi32, #tpu.memory_space<vmem>> -> memref<800xi32, #tpu.memory_space<vmem>>
    %dma_start3A_124 = tpu.memref_slice %arg2[%add3A_119] : memref<3276800xi32, #tpu.memory_space<hbm>> -> memref<800xi32, #tpu.memory_space<hbm>>
    %dma_start3A_125 = arith.constant 0 : i32
    %dma_start3A_126 = tpu.memref_slice %arg5[%dma_start3A_120, %dma_start3A_125] : memref<4x800xi32, #tpu.memory_space<vmem>> -> memref<1x800xi32, #tpu.memory_space<vmem>>
    %dma_start3A_127 = tpu.memref_squeeze %dma_start3A_126 : memref<1x800xi32, #tpu.memory_space<vmem>> -> memref<800xi32, #tpu.memory_space<vmem>>
    %dma_start3A_128 = tpu.memref_slice %arg2[%add3A_119] : memref<3276800xi32, #tpu.memory_space<hbm>> -> memref<800xi32, #tpu.memory_space<hbm>>
    tpu.enqueue_dma source(%dma_start3A_128 : memref<800xi32, #tpu.memory_space<hbm>>) target(%dma_start3A_127 : memref<800xi32, #tpu.memory_space<vmem>>) target_semaphore(%arg7 : memref<!tpu.dma_semaphore, #tpu.memory_space<semaphore_mem>>)
    %dma_wait3A_129 = arith.constant 2 : i32
    %dma_wait3A_130 = arith.constant 0 : i32
    %dma_wait3A_131 = tpu.memref_slice %arg5[%dma_wait3A_129, %dma_wait3A_130] : memref<4x800xi32, #tpu.memory_space<vmem>> -> memref<1x800xi32, #tpu.memory_space<vmem>>
    %dma_wait3A_132 = tpu.memref_squeeze %dma_wait3A_131 : memref<1x800xi32, #tpu.memory_space<vmem>> -> memref<800xi32, #tpu.memory_space<vmem>>
    %dma_wait3A_133 = arith.constant 0 : i32
    %dma_wait3A_134 = tpu.memref_slice %arg2[%dma_wait3A_133] : memref<3276800xi32, #tpu.memory_space<hbm>> -> memref<800xi32, #tpu.memory_space<hbm>>
    %dma_wait3A_135 = arith.constant 0 : i32
    %dma_wait3A_136 = tpu.memref_slice %arg5[%dma_wait3A_129, %dma_wait3A_135] : memref<4x800xi32, #tpu.memory_space<vmem>> -> memref<1x800xi32, #tpu.memory_space<vmem>>
    %dma_wait3A_137 = tpu.memref_squeeze %dma_wait3A_136 : memref<1x800xi32, #tpu.memory_space<vmem>> -> memref<800xi32, #tpu.memory_space<vmem>>
    %dma_wait3A_138 = arith.constant 0 : i32
    %dma_wait3A_139 = tpu.memref_slice %arg2[%dma_wait3A_138] : memref<3276800xi32, #tpu.memory_space<hbm>> -> memref<800xi32, #tpu.memory_space<hbm>>
    tpu.wait_dma2 semaphore(%arg9 : memref<!tpu.dma_semaphore, #tpu.memory_space<semaphore_mem>>) src(%dma_wait3A_139 : memref<800xi32, #tpu.memory_space<hbm>>) dst(%dma_wait3A_137 : memref<800xi32, #tpu.memory_space<vmem>>)
    %dma_start3A_140 = arith.constant 2 : i32
    %dma_start3A_141 = arith.constant 2 : i32
    %dma_start3A_142 = arith.constant 0 : i32
    %dma_start3A_143 = arith.constant 0 : i32
    %dma_start3A_144 = tpu.memref_slice %arg6[%dma_start3A_141, %dma_start3A_142, %dma_start3A_143] : memref<4x800x32xf32, #tpu.memory_space<vmem>> -> memref<1x800x32xf32, #tpu.memory_space<vmem>>
    %dma_start3A_145 = tpu.memref_squeeze %dma_start3A_144 : memref<1x800x32xf32, #tpu.memory_space<vmem>> -> memref<800x32xf32, #tpu.memory_space<vmem>>
    %dma_start3A_146 = arith.constant 0 : i32
    %dma_start3A_147 = tpu.memref_slice %arg5[%dma_start3A_140, %dma_start3A_146] : memref<4x800xi32, #tpu.memory_space<vmem>> -> memref<1x800xi32, #tpu.memory_space<vmem>>
    %dma_start3A_148 = tpu.memref_squeeze %dma_start3A_147 : memref<1x800xi32, #tpu.memory_space<vmem>> -> memref<800xi32, #tpu.memory_space<vmem>>
    %dma_start3A_149 = arith.constant 0 : i32
    %dma_start3A_150 = arith.constant 0 : i32
    %dma_start3A_151 = tpu.memref_slice %arg3[%dma_start3A_149, %dma_start3A_150] : memref<1000000x32xf32, #tpu.memory_space<hbm>> -> memref<1000000x32xf32, #tpu.memory_space<hbm>>
    tpu.enqueue_indirect_dma source(%dma_start3A_151 : memref<1000000x32xf32, #tpu.memory_space<hbm>>) target(%dma_start3A_145 : memref<800x32xf32, #tpu.memory_space<vmem>>) offsets(%dma_start3A_148 : memref<800xi32, #tpu.memory_space<vmem>>) semaphore(%arg13 : memref<!tpu.dma_semaphore, #tpu.memory_space<semaphore_mem>>)
    %dma_wait3A_152 = arith.constant 1 : i32
    %dma_wait3A_153 = arith.constant 1 : i32
    %dma_wait3A_154 = arith.constant 0 : i32
    %dma_wait3A_155 = arith.constant 0 : i32
    %dma_wait3A_156 = tpu.memref_slice %arg6[%dma_wait3A_153, %dma_wait3A_154, %dma_wait3A_155] : memref<4x800x32xf32, #tpu.memory_space<vmem>> -> memref<1x800x32xf32, #tpu.memory_space<vmem>>
    %dma_wait3A_157 = tpu.memref_squeeze %dma_wait3A_156 : memref<1x800x32xf32, #tpu.memory_space<vmem>> -> memref<800x32xf32, #tpu.memory_space<vmem>>
    %dma_wait3A_158 = arith.constant 0 : i32
    %dma_wait3A_159 = tpu.memref_slice %arg5[%dma_wait3A_152, %dma_wait3A_158] : memref<4x800xi32, #tpu.memory_space<vmem>> -> memref<1x800xi32, #tpu.memory_space<vmem>>
    %dma_wait3A_160 = tpu.memref_squeeze %dma_wait3A_159 : memref<1x800xi32, #tpu.memory_space<vmem>> -> memref<800xi32, #tpu.memory_space<vmem>>
    %dma_wait3A_161 = arith.constant 0 : i32
    %dma_wait3A_162 = arith.constant 0 : i32
    %dma_wait3A_163 = tpu.memref_slice %arg3[%dma_wait3A_161, %dma_wait3A_162] : memref<1000000x32xf32, #tpu.memory_space<hbm>> -> memref<1000000x32xf32, #tpu.memory_space<hbm>>
    tpu.wait_indirect_dma semaphore(%arg12 : memref<!tpu.dma_semaphore, #tpu.memory_space<semaphore_mem>>) src(%dma_wait3A_163 : memref<1000000x32xf32, #tpu.memory_space<hbm>>) dst(%dma_wait3A_157 : memref<800x32xf32, #tpu.memory_space<vmem>>)
    %add3A_164 = arith.constant 800 : i32
    %add3A_165 = arith.addi %mul3A_2, %add3A_164 : i32
    %dma_start3A_166 = arith.constant 1 : i32
    %dma_start3A_167 = arith.constant 0 : i32
    %dma_start3A_168 = arith.constant 0 : i32
    %dma_start3A_169 = tpu.memref_slice %arg6[%dma_start3A_166, %dma_start3A_167, %dma_start3A_168] : memref<4x800x32xf32, #tpu.memory_space<vmem>> -> memref<1x800x32xf32, #tpu.memory_space<vmem>>
    %dma_start3A_170 = tpu.memref_squeeze %dma_start3A_169 : memref<1x800x32xf32, #tpu.memory_space<vmem>> -> memref<800x32xf32, #tpu.memory_space<vmem>>
    %dma_start3A_171 = arith.constant 0 : i32
    %dma_start3A_172 = tpu.memref_slice %arg4[%add3A_165, %dma_start3A_171] : memref<3276800x32xf32, #tpu.memory_space<hbm>> -> memref<800x32xf32, #tpu.memory_space<hbm>>
    %dma_start3A_173 = arith.constant 0 : i32
    %dma_start3A_174 = tpu.memref_slice %arg4[%add3A_165, %dma_start3A_173] : memref<3276800x32xf32, #tpu.memory_space<hbm>> -> memref<800x32xf32, #tpu.memory_space<hbm>>
    %dma_start3A_175 = arith.constant 0 : i32
    %dma_start3A_176 = arith.constant 0 : i32
    %dma_start3A_177 = tpu.memref_slice %arg6[%dma_start3A_166, %dma_start3A_175, %dma_start3A_176] : memref<4x800x32xf32, #tpu.memory_space<vmem>> -> memref<1x800x32xf32, #tpu.memory_space<vmem>>
    %dma_start3A_178 = tpu.memref_squeeze %dma_start3A_177 : memref<1x800x32xf32, #tpu.memory_space<vmem>> -> memref<800x32xf32, #tpu.memory_space<vmem>>
    tpu.enqueue_dma source(%dma_start3A_178 : memref<800x32xf32, #tpu.memory_space<vmem>>) target(%dma_start3A_174 : memref<800x32xf32, #tpu.memory_space<hbm>>) target_semaphore(%arg16 : memref<!tpu.dma_semaphore, #tpu.memory_space<semaphore_mem>>)
    %add3A_179 = arith.constant 4000 : i32
    %add3A_180 = arith.addi %mul3A_2, %add3A_179 : i32
    %dma_start3A_181 = arith.constant 1 : i32
    %dma_start3A_182 = arith.constant 0 : i32
    %dma_start3A_183 = tpu.memref_slice %arg5[%dma_start3A_181, %dma_start3A_182] : memref<4x800xi32, #tpu.memory_space<vmem>> -> memref<1x800xi32, #tpu.memory_space<vmem>>
    %dma_start3A_184 = tpu.memref_squeeze %dma_start3A_183 : memref<1x800xi32, #tpu.memory_space<vmem>> -> memref<800xi32, #tpu.memory_space<vmem>>
    %dma_start3A_185 = tpu.memref_slice %arg2[%add3A_180] : memref<3276800xi32, #tpu.memory_space<hbm>> -> memref<800xi32, #tpu.memory_space<hbm>>
    %dma_start3A_186 = arith.constant 0 : i32
    %dma_start3A_187 = tpu.memref_slice %arg5[%dma_start3A_181, %dma_start3A_186] : memref<4x800xi32, #tpu.memory_space<vmem>> -> memref<1x800xi32, #tpu.memory_space<vmem>>
    %dma_start3A_188 = tpu.memref_squeeze %dma_start3A_187 : memref<1x800xi32, #tpu.memory_space<vmem>> -> memref<800xi32, #tpu.memory_space<vmem>>
    %dma_start3A_189 = tpu.memref_slice %arg2[%add3A_180] : memref<3276800xi32, #tpu.memory_space<hbm>> -> memref<800xi32, #tpu.memory_space<hbm>>
    tpu.enqueue_dma source(%dma_start3A_189 : memref<800xi32, #tpu.memory_space<hbm>>) target(%dma_start3A_188 : memref<800xi32, #tpu.memory_space<vmem>>) target_semaphore(%arg8 : memref<!tpu.dma_semaphore, #tpu.memory_space<semaphore_mem>>)
    %dma_wait3A_190 = arith.constant 3 : i32
    %dma_wait3A_191 = arith.constant 0 : i32
    %dma_wait3A_192 = tpu.memref_slice %arg5[%dma_wait3A_190, %dma_wait3A_191] : memref<4x800xi32, #tpu.memory_space<vmem>> -> memref<1x800xi32, #tpu.memory_space<vmem>>
    %dma_wait3A_193 = tpu.memref_squeeze %dma_wait3A_192 : memref<1x800xi32, #tpu.memory_space<vmem>> -> memref<800xi32, #tpu.memory_space<vmem>>
    %dma_wait3A_194 = arith.constant 0 : i32
    %dma_wait3A_195 = tpu.memref_slice %arg2[%dma_wait3A_194] : memref<3276800xi32, #tpu.memory_space<hbm>> -> memref<800xi32, #tpu.memory_space<hbm>>
    %dma_wait3A_196 = arith.constant 0 : i32
    %dma_wait3A_197 = tpu.memref_slice %arg5[%dma_wait3A_190, %dma_wait3A_196] : memref<4x800xi32, #tpu.memory_space<vmem>> -> memref<1x800xi32, #tpu.memory_space<vmem>>
    %dma_wait3A_198 = tpu.memref_squeeze %dma_wait3A_197 : memref<1x800xi32, #tpu.memory_space<vmem>> -> memref<800xi32, #tpu.memory_space<vmem>>
    %dma_wait3A_199 = arith.constant 0 : i32
    %dma_wait3A_200 = tpu.memref_slice %arg2[%dma_wait3A_199] : memref<3276800xi32, #tpu.memory_space<hbm>> -> memref<800xi32, #tpu.memory_space<hbm>>
    tpu.wait_dma2 semaphore(%arg10 : memref<!tpu.dma_semaphore, #tpu.memory_space<semaphore_mem>>) src(%dma_wait3A_200 : memref<800xi32, #tpu.memory_space<hbm>>) dst(%dma_wait3A_198 : memref<800xi32, #tpu.memory_space<vmem>>)
    %dma_start3A_201 = arith.constant 3 : i32
    %dma_start3A_202 = arith.constant 3 : i32
    %dma_start3A_203 = arith.constant 0 : i32
    %dma_start3A_204 = arith.constant 0 : i32
    %dma_start3A_205 = tpu.memref_slice %arg6[%dma_start3A_202, %dma_start3A_203, %dma_start3A_204] : memref<4x800x32xf32, #tpu.memory_space<vmem>> -> memref<1x800x32xf32, #tpu.memory_space<vmem>>
    %dma_start3A_206 = tpu.memref_squeeze %dma_start3A_205 : memref<1x800x32xf32, #tpu.memory_space<vmem>> -> memref<800x32xf32, #tpu.memory_space<vmem>>
    %dma_start3A_207 = arith.constant 0 : i32
    %dma_start3A_208 = tpu.memref_slice %arg5[%dma_start3A_201, %dma_start3A_207] : memref<4x800xi32, #tpu.memory_space<vmem>> -> memref<1x800xi32, #tpu.memory_space<vmem>>
    %dma_start3A_209 = tpu.memref_squeeze %dma_start3A_208 : memref<1x800xi32, #tpu.memory_space<vmem>> -> memref<800xi32, #tpu.memory_space<vmem>>
    %dma_start3A_210 = arith.constant 0 : i32
    %dma_start3A_211 = arith.constant 0 : i32
    %dma_start3A_212 = tpu.memref_slice %arg3[%dma_start3A_210, %dma_start3A_211] : memref<1000000x32xf32, #tpu.memory_space<hbm>> -> memref<1000000x32xf32, #tpu.memory_space<hbm>>
    tpu.enqueue_indirect_dma source(%dma_start3A_212 : memref<1000000x32xf32, #tpu.memory_space<hbm>>) target(%dma_start3A_206 : memref<800x32xf32, #tpu.memory_space<vmem>>) offsets(%dma_start3A_209 : memref<800xi32, #tpu.memory_space<vmem>>) semaphore(%arg14 : memref<!tpu.dma_semaphore, #tpu.memory_space<semaphore_mem>>)
    %dma_wait3A_213 = arith.constant 2 : i32
    %dma_wait3A_214 = arith.constant 2 : i32
    %dma_wait3A_215 = arith.constant 0 : i32
    %dma_wait3A_216 = arith.constant 0 : i32
    %dma_wait3A_217 = tpu.memref_slice %arg6[%dma_wait3A_214, %dma_wait3A_215, %dma_wait3A_216] : memref<4x800x32xf32, #tpu.memory_space<vmem>> -> memref<1x800x32xf32, #tpu.memory_space<vmem>>
    %dma_wait3A_218 = tpu.memref_squeeze %dma_wait3A_217 : memref<1x800x32xf32, #tpu.memory_space<vmem>> -> memref<800x32xf32, #tpu.memory_space<vmem>>
    %dma_wait3A_219 = arith.constant 0 : i32
    %dma_wait3A_220 = tpu.memref_slice %arg5[%dma_wait3A_213, %dma_wait3A_219] : memref<4x800xi32, #tpu.memory_space<vmem>> -> memref<1x800xi32, #tpu.memory_space<vmem>>
    %dma_wait3A_221 = tpu.memref_squeeze %dma_wait3A_220 : memref<1x800xi32, #tpu.memory_space<vmem>> -> memref<800xi32, #tpu.memory_space<vmem>>
    %dma_wait3A_222 = arith.constant 0 : i32
    %dma_wait3A_223 = arith.constant 0 : i32
    %dma_wait3A_224 = tpu.memref_slice %arg3[%dma_wait3A_222, %dma_wait3A_223] : memref<1000000x32xf32, #tpu.memory_space<hbm>> -> memref<1000000x32xf32, #tpu.memory_space<hbm>>
    tpu.wait_indirect_dma semaphore(%arg13 : memref<!tpu.dma_semaphore, #tpu.memory_space<semaphore_mem>>) src(%dma_wait3A_224 : memref<1000000x32xf32, #tpu.memory_space<hbm>>) dst(%dma_wait3A_218 : memref<800x32xf32, #tpu.memory_space<vmem>>)
    %add3A_225 = arith.constant 1600 : i32
    %add3A_226 = arith.addi %mul3A_2, %add3A_225 : i32
    %dma_start3A_227 = arith.constant 2 : i32
    %dma_start3A_228 = arith.constant 0 : i32
    %dma_start3A_229 = arith.constant 0 : i32
    %dma_start3A_230 = tpu.memref_slice %arg6[%dma_start3A_227, %dma_start3A_228, %dma_start3A_229] : memref<4x800x32xf32, #tpu.memory_space<vmem>> -> memref<1x800x32xf32, #tpu.memory_space<vmem>>
    %dma_start3A_231 = tpu.memref_squeeze %dma_start3A_230 : memref<1x800x32xf32, #tpu.memory_space<vmem>> -> memref<800x32xf32, #tpu.memory_space<vmem>>
    %dma_start3A_232 = arith.constant 0 : i32
    %dma_start3A_233 = tpu.memref_slice %arg4[%add3A_226, %dma_start3A_232] : memref<3276800x32xf32, #tpu.memory_space<hbm>> -> memref<800x32xf32, #tpu.memory_space<hbm>>
    %dma_start3A_234 = arith.constant 0 : i32
    %dma_start3A_235 = tpu.memref_slice %arg4[%add3A_226, %dma_start3A_234] : memref<3276800x32xf32, #tpu.memory_space<hbm>> -> memref<800x32xf32, #tpu.memory_space<hbm>>
    %dma_start3A_236 = arith.constant 0 : i32
    %dma_start3A_237 = arith.constant 0 : i32
    %dma_start3A_238 = tpu.memref_slice %arg6[%dma_start3A_227, %dma_start3A_236, %dma_start3A_237] : memref<4x800x32xf32, #tpu.memory_space<vmem>> -> memref<1x800x32xf32, #tpu.memory_space<vmem>>
    %dma_start3A_239 = tpu.memref_squeeze %dma_start3A_238 : memref<1x800x32xf32, #tpu.memory_space<vmem>> -> memref<800x32xf32, #tpu.memory_space<vmem>>
    tpu.enqueue_dma source(%dma_start3A_239 : memref<800x32xf32, #tpu.memory_space<vmem>>) target(%dma_start3A_235 : memref<800x32xf32, #tpu.memory_space<hbm>>) target_semaphore(%arg17 : memref<!tpu.dma_semaphore, #tpu.memory_space<semaphore_mem>>)
    %add3A_240 = arith.constant 4800 : i32
    %add3A_241 = arith.addi %mul3A_2, %add3A_240 : i32
    %dma_start3A_242 = arith.constant 2 : i32
    %dma_start3A_243 = arith.constant 0 : i32
    %dma_start3A_244 = tpu.memref_slice %arg5[%dma_start3A_242, %dma_start3A_243] : memref<4x800xi32, #tpu.memory_space<vmem>> -> memref<1x800xi32, #tpu.memory_space<vmem>>
    %dma_start3A_245 = tpu.memref_squeeze %dma_start3A_244 : memref<1x800xi32, #tpu.memory_space<vmem>> -> memref<800xi32, #tpu.memory_space<vmem>>
    %dma_start3A_246 = tpu.memref_slice %arg2[%add3A_241] : memref<3276800xi32, #tpu.memory_space<hbm>> -> memref<800xi32, #tpu.memory_space<hbm>>
    %dma_start3A_247 = arith.constant 0 : i32
    %dma_start3A_248 = tpu.memref_slice %arg5[%dma_start3A_242, %dma_start3A_247] : memref<4x800xi32, #tpu.memory_space<vmem>> -> memref<1x800xi32, #tpu.memory_space<vmem>>
    %dma_start3A_249 = tpu.memref_squeeze %dma_start3A_248 : memref<1x800xi32, #tpu.memory_space<vmem>> -> memref<800xi32, #tpu.memory_space<vmem>>
    %dma_start3A_250 = tpu.memref_slice %arg2[%add3A_241] : memref<3276800xi32, #tpu.memory_space<hbm>> -> memref<800xi32, #tpu.memory_space<hbm>>
    tpu.enqueue_dma source(%dma_start3A_250 : memref<800xi32, #tpu.memory_space<hbm>>) target(%dma_start3A_249 : memref<800xi32, #tpu.memory_space<vmem>>) target_semaphore(%arg9 : memref<!tpu.dma_semaphore, #tpu.memory_space<semaphore_mem>>)
    %scan3A = arith.constant 0 : i32
    %scan3A_251 = arith.constant 1 : i32
    %scan3A_252 = arith.constant 30 : i32
    %scan3A_253 = arith.addi %scan3A_251, %scan3A_252 : i32
    %scan3A_254 = arith.constant 1 : i32
    scf.for %scan3A_614 = %scan3A_251 to %scan3A_253 step %scan3A_254  : i32 {
      %mul3A_615 = arith.constant 4 : i32
      %mul3A_616 = arith.muli %scan3A_614, %mul3A_615 : i32
      %add3A_617 = arith.constant 0 : i32
      %add3A_618 = arith.addi %mul3A_616, %add3A_617 : i32
      %dma_wait3A_619 = arith.constant 0 : i32
      %dma_wait3A_620 = arith.constant 0 : i32
      %dma_wait3A_621 = tpu.memref_slice %arg5[%dma_wait3A_619, %dma_wait3A_620] : memref<4x800xi32, #tpu.memory_space<vmem>> -> memref<1x800xi32, #tpu.memory_space<vmem>>
      %dma_wait3A_622 = tpu.memref_squeeze %dma_wait3A_621 : memref<1x800xi32, #tpu.memory_space<vmem>> -> memref<800xi32, #tpu.memory_space<vmem>>
      %dma_wait3A_623 = arith.constant 0 : i32
      %dma_wait3A_624 = tpu.memref_slice %arg2[%dma_wait3A_623] : memref<3276800xi32, #tpu.memory_space<hbm>> -> memref<800xi32, #tpu.memory_space<hbm>>
      %dma_wait3A_625 = arith.constant 0 : i32
      %dma_wait3A_626 = tpu.memref_slice %arg5[%dma_wait3A_619, %dma_wait3A_625] : memref<4x800xi32, #tpu.memory_space<vmem>> -> memref<1x800xi32, #tpu.memory_space<vmem>>
      %dma_wait3A_627 = tpu.memref_squeeze %dma_wait3A_626 : memref<1x800xi32, #tpu.memory_space<vmem>> -> memref<800xi32, #tpu.memory_space<vmem>>
      %dma_wait3A_628 = arith.constant 0 : i32
      %dma_wait3A_629 = tpu.memref_slice %arg2[%dma_wait3A_628] : memref<3276800xi32, #tpu.memory_space<hbm>> -> memref<800xi32, #tpu.memory_space<hbm>>
      tpu.wait_dma2 semaphore(%arg7 : memref<!tpu.dma_semaphore, #tpu.memory_space<semaphore_mem>>) src(%dma_wait3A_629 : memref<800xi32, #tpu.memory_space<hbm>>) dst(%dma_wait3A_627 : memref<800xi32, #tpu.memory_space<vmem>>)
      %dma_wait3A_630 = arith.constant 0 : i32
      %dma_wait3A_631 = arith.constant 0 : i32
      %dma_wait3A_632 = arith.constant 0 : i32
      %dma_wait3A_633 = tpu.memref_slice %arg6[%dma_wait3A_630, %dma_wait3A_631, %dma_wait3A_632] : memref<4x800x32xf32, #tpu.memory_space<vmem>> -> memref<1x800x32xf32, #tpu.memory_space<vmem>>
      %dma_wait3A_634 = tpu.memref_squeeze %dma_wait3A_633 : memref<1x800x32xf32, #tpu.memory_space<vmem>> -> memref<800x32xf32, #tpu.memory_space<vmem>>
      %dma_wait3A_635 = arith.constant 0 : i32
      %dma_wait3A_636 = arith.constant 0 : i32
      %dma_wait3A_637 = tpu.memref_slice %arg4[%dma_wait3A_635, %dma_wait3A_636] : memref<3276800x32xf32, #tpu.memory_space<hbm>> -> memref<800x32xf32, #tpu.memory_space<hbm>>
      %dma_wait3A_638 = arith.constant 0 : i32
      %dma_wait3A_639 = arith.constant 0 : i32
      %dma_wait3A_640 = tpu.memref_slice %arg4[%dma_wait3A_638, %dma_wait3A_639] : memref<3276800x32xf32, #tpu.memory_space<hbm>> -> memref<800x32xf32, #tpu.memory_space<hbm>>
      %dma_wait3A_641 = arith.constant 0 : i32
      %dma_wait3A_642 = arith.constant 0 : i32
      %dma_wait3A_643 = tpu.memref_slice %arg6[%dma_wait3A_630, %dma_wait3A_641, %dma_wait3A_642] : memref<4x800x32xf32, #tpu.memory_space<vmem>> -> memref<1x800x32xf32, #tpu.memory_space<vmem>>
      %dma_wait3A_644 = tpu.memref_squeeze %dma_wait3A_643 : memref<1x800x32xf32, #tpu.memory_space<vmem>> -> memref<800x32xf32, #tpu.memory_space<vmem>>
      tpu.wait_dma2 semaphore(%arg15 : memref<!tpu.dma_semaphore, #tpu.memory_space<semaphore_mem>>) src(%dma_wait3A_644 : memref<800x32xf32, #tpu.memory_space<vmem>>) dst(%dma_wait3A_640 : memref<800x32xf32, #tpu.memory_space<hbm>>)
      %dma_start3A_645 = arith.constant 0 : i32
      %dma_start3A_646 = arith.constant 0 : i32
      %dma_start3A_647 = arith.constant 0 : i32
      %dma_start3A_648 = arith.constant 0 : i32
      %dma_start3A_649 = tpu.memref_slice %arg6[%dma_start3A_646, %dma_start3A_647, %dma_start3A_648] : memref<4x800x32xf32, #tpu.memory_space<vmem>> -> memref<1x800x32xf32, #tpu.memory_space<vmem>>
      %dma_start3A_650 = tpu.memref_squeeze %dma_start3A_649 : memref<1x800x32xf32, #tpu.memory_space<vmem>> -> memref<800x32xf32, #tpu.memory_space<vmem>>
      %dma_start3A_651 = arith.constant 0 : i32
      %dma_start3A_652 = tpu.memref_slice %arg5[%dma_start3A_645, %dma_start3A_651] : memref<4x800xi32, #tpu.memory_space<vmem>> -> memref<1x800xi32, #tpu.memory_space<vmem>>
      %dma_start3A_653 = tpu.memref_squeeze %dma_start3A_652 : memref<1x800xi32, #tpu.memory_space<vmem>> -> memref<800xi32, #tpu.memory_space<vmem>>
      %dma_start3A_654 = arith.constant 0 : i32
      %dma_start3A_655 = arith.constant 0 : i32
      %dma_start3A_656 = tpu.memref_slice %arg3[%dma_start3A_654, %dma_start3A_655] : memref<1000000x32xf32, #tpu.memory_space<hbm>> -> memref<1000000x32xf32, #tpu.memory_space<hbm>>
      tpu.enqueue_indirect_dma source(%dma_start3A_656 : memref<1000000x32xf32, #tpu.memory_space<hbm>>) target(%dma_start3A_650 : memref<800x32xf32, #tpu.memory_space<vmem>>) offsets(%dma_start3A_653 : memref<800xi32, #tpu.memory_space<vmem>>) semaphore(%arg11 : memref<!tpu.dma_semaphore, #tpu.memory_space<semaphore_mem>>)
      %dma_wait3A_657 = arith.constant 3 : i32
      %dma_wait3A_658 = arith.constant 3 : i32
      %dma_wait3A_659 = arith.constant 0 : i32
      %dma_wait3A_660 = arith.constant 0 : i32
      %dma_wait3A_661 = tpu.memref_slice %arg6[%dma_wait3A_658, %dma_wait3A_659, %dma_wait3A_660] : memref<4x800x32xf32, #tpu.memory_space<vmem>> -> memref<1x800x32xf32, #tpu.memory_space<vmem>>
      %dma_wait3A_662 = tpu.memref_squeeze %dma_wait3A_661 : memref<1x800x32xf32, #tpu.memory_space<vmem>> -> memref<800x32xf32, #tpu.memory_space<vmem>>
      %dma_wait3A_663 = arith.constant 0 : i32
      %dma_wait3A_664 = tpu.memref_slice %arg5[%dma_wait3A_657, %dma_wait3A_663] : memref<4x800xi32, #tpu.memory_space<vmem>> -> memref<1x800xi32, #tpu.memory_space<vmem>>
      %dma_wait3A_665 = tpu.memref_squeeze %dma_wait3A_664 : memref<1x800xi32, #tpu.memory_space<vmem>> -> memref<800xi32, #tpu.memory_space<vmem>>
      %dma_wait3A_666 = arith.constant 0 : i32
      %dma_wait3A_667 = arith.constant 0 : i32
      %dma_wait3A_668 = tpu.memref_slice %arg3[%dma_wait3A_666, %dma_wait3A_667] : memref<1000000x32xf32, #tpu.memory_space<hbm>> -> memref<1000000x32xf32, #tpu.memory_space<hbm>>
      tpu.wait_indirect_dma semaphore(%arg14 : memref<!tpu.dma_semaphore, #tpu.memory_space<semaphore_mem>>) src(%dma_wait3A_668 : memref<1000000x32xf32, #tpu.memory_space<hbm>>) dst(%dma_wait3A_662 : memref<800x32xf32, #tpu.memory_space<vmem>>)
      %sub3A = arith.constant 1 : i32
      %sub3A_669 = arith.subi %add3A_618, %sub3A : i32
      %mul3A_670 = arith.constant 800 : i32
      %mul3A_671 = arith.muli %sub3A_669, %mul3A_670 : i32
      %add3A_672 = arith.addi %mul3A_2, %mul3A_671 : i32
      %dma_start3A_673 = arith.constant 3 : i32
      %dma_start3A_674 = arith.constant 0 : i32
      %dma_start3A_675 = arith.constant 0 : i32
      %dma_start3A_676 = tpu.memref_slice %arg6[%dma_start3A_673, %dma_start3A_674, %dma_start3A_675] : memref<4x800x32xf32, #tpu.memory_space<vmem>> -> memref<1x800x32xf32, #tpu.memory_space<vmem>>
      %dma_start3A_677 = tpu.memref_squeeze %dma_start3A_676 : memref<1x800x32xf32, #tpu.memory_space<vmem>> -> memref<800x32xf32, #tpu.memory_space<vmem>>
      %dma_start3A_678 = arith.constant 0 : i32
      %dma_start3A_679 = tpu.memref_slice %arg4[%add3A_672, %dma_start3A_678] : memref<3276800x32xf32, #tpu.memory_space<hbm>> -> memref<800x32xf32, #tpu.memory_space<hbm>>
      %dma_start3A_680 = arith.constant 0 : i32
      %dma_start3A_681 = tpu.memref_slice %arg4[%add3A_672, %dma_start3A_680] : memref<3276800x32xf32, #tpu.memory_space<hbm>> -> memref<800x32xf32, #tpu.memory_space<hbm>>
      %dma_start3A_682 = arith.constant 0 : i32
      %dma_start3A_683 = arith.constant 0 : i32
      %dma_start3A_684 = tpu.memref_slice %arg6[%dma_start3A_673, %dma_start3A_682, %dma_start3A_683] : memref<4x800x32xf32, #tpu.memory_space<vmem>> -> memref<1x800x32xf32, #tpu.memory_space<vmem>>
      %dma_start3A_685 = tpu.memref_squeeze %dma_start3A_684 : memref<1x800x32xf32, #tpu.memory_space<vmem>> -> memref<800x32xf32, #tpu.memory_space<vmem>>
      tpu.enqueue_dma source(%dma_start3A_685 : memref<800x32xf32, #tpu.memory_space<vmem>>) target(%dma_start3A_681 : memref<800x32xf32, #tpu.memory_space<hbm>>) target_semaphore(%arg18 : memref<!tpu.dma_semaphore, #tpu.memory_space<semaphore_mem>>)
      %sub3A_686 = arith.constant 1 : i32
      %sub3A_687 = arith.subi %add3A_618, %sub3A_686 : i32
      %add3A_688 = arith.constant 4 : i32
      %add3A_689 = arith.addi %sub3A_687, %add3A_688 : i32
      %mul3A_690 = arith.constant 800 : i32
      %mul3A_691 = arith.muli %add3A_689, %mul3A_690 : i32
      %add3A_692 = arith.addi %mul3A_2, %mul3A_691 : i32
      %dma_start3A_693 = arith.constant 3 : i32
      %dma_start3A_694 = arith.constant 0 : i32
      %dma_start3A_695 = tpu.memref_slice %arg5[%dma_start3A_693, %dma_start3A_694] : memref<4x800xi32, #tpu.memory_space<vmem>> -> memref<1x800xi32, #tpu.memory_space<vmem>>
      %dma_start3A_696 = tpu.memref_squeeze %dma_start3A_695 : memref<1x800xi32, #tpu.memory_space<vmem>> -> memref<800xi32, #tpu.memory_space<vmem>>
      %dma_start3A_697 = tpu.memref_slice %arg2[%add3A_692] : memref<3276800xi32, #tpu.memory_space<hbm>> -> memref<800xi32, #tpu.memory_space<hbm>>
      %dma_start3A_698 = arith.constant 0 : i32
      %dma_start3A_699 = tpu.memref_slice %arg5[%dma_start3A_693, %dma_start3A_698] : memref<4x800xi32, #tpu.memory_space<vmem>> -> memref<1x800xi32, #tpu.memory_space<vmem>>
      %dma_start3A_700 = tpu.memref_squeeze %dma_start3A_699 : memref<1x800xi32, #tpu.memory_space<vmem>> -> memref<800xi32, #tpu.memory_space<vmem>>
      %dma_start3A_701 = tpu.memref_slice %arg2[%add3A_692] : memref<3276800xi32, #tpu.memory_space<hbm>> -> memref<800xi32, #tpu.memory_space<hbm>>
      tpu.enqueue_dma source(%dma_start3A_701 : memref<800xi32, #tpu.memory_space<hbm>>) target(%dma_start3A_700 : memref<800xi32, #tpu.memory_space<vmem>>) target_semaphore(%arg10 : memref<!tpu.dma_semaphore, #tpu.memory_space<semaphore_mem>>)
      %mul3A_702 = arith.constant 4 : i32
      %mul3A_703 = arith.muli %scan3A_614, %mul3A_702 : i32
      %add3A_704 = arith.constant 1 : i32
      %add3A_705 = arith.addi %mul3A_703, %add3A_704 : i32
      %dma_wait3A_706 = arith.constant 1 : i32
      %dma_wait3A_707 = arith.constant 0 : i32
      %dma_wait3A_708 = tpu.memref_slice %arg5[%dma_wait3A_706, %dma_wait3A_707] : memref<4x800xi32, #tpu.memory_space<vmem>> -> memref<1x800xi32, #tpu.memory_space<vmem>>
      %dma_wait3A_709 = tpu.memref_squeeze %dma_wait3A_708 : memref<1x800xi32, #tpu.memory_space<vmem>> -> memref<800xi32, #tpu.memory_space<vmem>>
      %dma_wait3A_710 = arith.constant 0 : i32
      %dma_wait3A_711 = tpu.memref_slice %arg2[%dma_wait3A_710] : memref<3276800xi32, #tpu.memory_space<hbm>> -> memref<800xi32, #tpu.memory_space<hbm>>
      %dma_wait3A_712 = arith.constant 0 : i32
      %dma_wait3A_713 = tpu.memref_slice %arg5[%dma_wait3A_706, %dma_wait3A_712] : memref<4x800xi32, #tpu.memory_space<vmem>> -> memref<1x800xi32, #tpu.memory_space<vmem>>
      %dma_wait3A_714 = tpu.memref_squeeze %dma_wait3A_713 : memref<1x800xi32, #tpu.memory_space<vmem>> -> memref<800xi32, #tpu.memory_space<vmem>>
      %dma_wait3A_715 = arith.constant 0 : i32
      %dma_wait3A_716 = tpu.memref_slice %arg2[%dma_wait3A_715] : memref<3276800xi32, #tpu.memory_space<hbm>> -> memref<800xi32, #tpu.memory_space<hbm>>
      tpu.wait_dma2 semaphore(%arg8 : memref<!tpu.dma_semaphore, #tpu.memory_space<semaphore_mem>>) src(%dma_wait3A_716 : memref<800xi32, #tpu.memory_space<hbm>>) dst(%dma_wait3A_714 : memref<800xi32, #tpu.memory_space<vmem>>)
      %dma_wait3A_717 = arith.constant 1 : i32
      %dma_wait3A_718 = arith.constant 0 : i32
      %dma_wait3A_719 = arith.constant 0 : i32
      %dma_wait3A_720 = tpu.memref_slice %arg6[%dma_wait3A_717, %dma_wait3A_718, %dma_wait3A_719] : memref<4x800x32xf32, #tpu.memory_space<vmem>> -> memref<1x800x32xf32, #tpu.memory_space<vmem>>
      %dma_wait3A_721 = tpu.memref_squeeze %dma_wait3A_720 : memref<1x800x32xf32, #tpu.memory_space<vmem>> -> memref<800x32xf32, #tpu.memory_space<vmem>>
      %dma_wait3A_722 = arith.constant 0 : i32
      %dma_wait3A_723 = arith.constant 0 : i32
      %dma_wait3A_724 = tpu.memref_slice %arg4[%dma_wait3A_722, %dma_wait3A_723] : memref<3276800x32xf32, #tpu.memory_space<hbm>> -> memref<800x32xf32, #tpu.memory_space<hbm>>
      %dma_wait3A_725 = arith.constant 0 : i32
      %dma_wait3A_726 = arith.constant 0 : i32
      %dma_wait3A_727 = tpu.memref_slice %arg4[%dma_wait3A_725, %dma_wait3A_726] : memref<3276800x32xf32, #tpu.memory_space<hbm>> -> memref<800x32xf32, #tpu.memory_space<hbm>>
      %dma_wait3A_728 = arith.constant 0 : i32
      %dma_wait3A_729 = arith.constant 0 : i32
      %dma_wait3A_730 = tpu.memref_slice %arg6[%dma_wait3A_717, %dma_wait3A_728, %dma_wait3A_729] : memref<4x800x32xf32, #tpu.memory_space<vmem>> -> memref<1x800x32xf32, #tpu.memory_space<vmem>>
      %dma_wait3A_731 = tpu.memref_squeeze %dma_wait3A_730 : memref<1x800x32xf32, #tpu.memory_space<vmem>> -> memref<800x32xf32, #tpu.memory_space<vmem>>
      tpu.wait_dma2 semaphore(%arg16 : memref<!tpu.dma_semaphore, #tpu.memory_space<semaphore_mem>>) src(%dma_wait3A_731 : memref<800x32xf32, #tpu.memory_space<vmem>>) dst(%dma_wait3A_727 : memref<800x32xf32, #tpu.memory_space<hbm>>)
      %dma_start3A_732 = arith.constant 1 : i32
      %dma_start3A_733 = arith.constant 1 : i32
      %dma_start3A_734 = arith.constant 0 : i32
      %dma_start3A_735 = arith.constant 0 : i32
      %dma_start3A_736 = tpu.memref_slice %arg6[%dma_start3A_733, %dma_start3A_734, %dma_start3A_735] : memref<4x800x32xf32, #tpu.memory_space<vmem>> -> memref<1x800x32xf32, #tpu.memory_space<vmem>>
      %dma_start3A_737 = tpu.memref_squeeze %dma_start3A_736 : memref<1x800x32xf32, #tpu.memory_space<vmem>> -> memref<800x32xf32, #tpu.memory_space<vmem>>
      %dma_start3A_738 = arith.constant 0 : i32
      %dma_start3A_739 = tpu.memref_slice %arg5[%dma_start3A_732, %dma_start3A_738] : memref<4x800xi32, #tpu.memory_space<vmem>> -> memref<1x800xi32, #tpu.memory_space<vmem>>
      %dma_start3A_740 = tpu.memref_squeeze %dma_start3A_739 : memref<1x800xi32, #tpu.memory_space<vmem>> -> memref<800xi32, #tpu.memory_space<vmem>>
      %dma_start3A_741 = arith.constant 0 : i32
      %dma_start3A_742 = arith.constant 0 : i32
      %dma_start3A_743 = tpu.memref_slice %arg3[%dma_start3A_741, %dma_start3A_742] : memref<1000000x32xf32, #tpu.memory_space<hbm>> -> memref<1000000x32xf32, #tpu.memory_space<hbm>>
      tpu.enqueue_indirect_dma source(%dma_start3A_743 : memref<1000000x32xf32, #tpu.memory_space<hbm>>) target(%dma_start3A_737 : memref<800x32xf32, #tpu.memory_space<vmem>>) offsets(%dma_start3A_740 : memref<800xi32, #tpu.memory_space<vmem>>) semaphore(%arg12 : memref<!tpu.dma_semaphore, #tpu.memory_space<semaphore_mem>>)
      %dma_wait3A_744 = arith.constant 0 : i32
      %dma_wait3A_745 = arith.constant 0 : i32
      %dma_wait3A_746 = arith.constant 0 : i32
      %dma_wait3A_747 = arith.constant 0 : i32
      %dma_wait3A_748 = tpu.memref_slice %arg6[%dma_wait3A_745, %dma_wait3A_746, %dma_wait3A_747] : memref<4x800x32xf32, #tpu.memory_space<vmem>> -> memref<1x800x32xf32, #tpu.memory_space<vmem>>
      %dma_wait3A_749 = tpu.memref_squeeze %dma_wait3A_748 : memref<1x800x32xf32, #tpu.memory_space<vmem>> -> memref<800x32xf32, #tpu.memory_space<vmem>>
      %dma_wait3A_750 = arith.constant 0 : i32
      %dma_wait3A_751 = tpu.memref_slice %arg5[%dma_wait3A_744, %dma_wait3A_750] : memref<4x800xi32, #tpu.memory_space<vmem>> -> memref<1x800xi32, #tpu.memory_space<vmem>>
      %dma_wait3A_752 = tpu.memref_squeeze %dma_wait3A_751 : memref<1x800xi32, #tpu.memory_space<vmem>> -> memref<800xi32, #tpu.memory_space<vmem>>
      %dma_wait3A_753 = arith.constant 0 : i32
      %dma_wait3A_754 = arith.constant 0 : i32
      %dma_wait3A_755 = tpu.memref_slice %arg3[%dma_wait3A_753, %dma_wait3A_754] : memref<1000000x32xf32, #tpu.memory_space<hbm>> -> memref<1000000x32xf32, #tpu.memory_space<hbm>>
      tpu.wait_indirect_dma semaphore(%arg11 : memref<!tpu.dma_semaphore, #tpu.memory_space<semaphore_mem>>) src(%dma_wait3A_755 : memref<1000000x32xf32, #tpu.memory_space<hbm>>) dst(%dma_wait3A_749 : memref<800x32xf32, #tpu.memory_space<vmem>>)
      %sub3A_756 = arith.constant 1 : i32
      %sub3A_757 = arith.subi %add3A_705, %sub3A_756 : i32
      %mul3A_758 = arith.constant 800 : i32
      %mul3A_759 = arith.muli %sub3A_757, %mul3A_758 : i32
      %add3A_760 = arith.addi %mul3A_2, %mul3A_759 : i32
      %dma_start3A_761 = arith.constant 0 : i32
      %dma_start3A_762 = arith.constant 0 : i32
      %dma_start3A_763 = arith.constant 0 : i32
      %dma_start3A_764 = tpu.memref_slice %arg6[%dma_start3A_761, %dma_start3A_762, %dma_start3A_763] : memref<4x800x32xf32, #tpu.memory_space<vmem>> -> memref<1x800x32xf32, #tpu.memory_space<vmem>>
      %dma_start3A_765 = tpu.memref_squeeze %dma_start3A_764 : memref<1x800x32xf32, #tpu.memory_space<vmem>> -> memref<800x32xf32, #tpu.memory_space<vmem>>
      %dma_start3A_766 = arith.constant 0 : i32
      %dma_start3A_767 = tpu.memref_slice %arg4[%add3A_760, %dma_start3A_766] : memref<3276800x32xf32, #tpu.memory_space<hbm>> -> memref<800x32xf32, #tpu.memory_space<hbm>>
      %dma_start3A_768 = arith.constant 0 : i32
      %dma_start3A_769 = tpu.memref_slice %arg4[%add3A_760, %dma_start3A_768] : memref<3276800x32xf32, #tpu.memory_space<hbm>> -> memref<800x32xf32, #tpu.memory_space<hbm>>
      %dma_start3A_770 = arith.constant 0 : i32
      %dma_start3A_771 = arith.constant 0 : i32
      %dma_start3A_772 = tpu.memref_slice %arg6[%dma_start3A_761, %dma_start3A_770, %dma_start3A_771] : memref<4x800x32xf32, #tpu.memory_space<vmem>> -> memref<1x800x32xf32, #tpu.memory_space<vmem>>
      %dma_start3A_773 = tpu.memref_squeeze %dma_start3A_772 : memref<1x800x32xf32, #tpu.memory_space<vmem>> -> memref<800x32xf32, #tpu.memory_space<vmem>>
      tpu.enqueue_dma source(%dma_start3A_773 : memref<800x32xf32, #tpu.memory_space<vmem>>) target(%dma_start3A_769 : memref<800x32xf32, #tpu.memory_space<hbm>>) target_semaphore(%arg15 : memref<!tpu.dma_semaphore, #tpu.memory_space<semaphore_mem>>)
      %sub3A_774 = arith.constant 1 : i32
      %sub3A_775 = arith.subi %add3A_705, %sub3A_774 : i32
      %add3A_776 = arith.constant 4 : i32
      %add3A_777 = arith.addi %sub3A_775, %add3A_776 : i32
      %mul3A_778 = arith.constant 800 : i32
      %mul3A_779 = arith.muli %add3A_777, %mul3A_778 : i32
      %add3A_780 = arith.addi %mul3A_2, %mul3A_779 : i32
      %dma_start3A_781 = arith.constant 0 : i32
      %dma_start3A_782 = arith.constant 0 : i32
      %dma_start3A_783 = tpu.memref_slice %arg5[%dma_start3A_781, %dma_start3A_782] : memref<4x800xi32, #tpu.memory_space<vmem>> -> memref<1x800xi32, #tpu.memory_space<vmem>>
      %dma_start3A_784 = tpu.memref_squeeze %dma_start3A_783 : memref<1x800xi32, #tpu.memory_space<vmem>> -> memref<800xi32, #tpu.memory_space<vmem>>
      %dma_start3A_785 = tpu.memref_slice %arg2[%add3A_780] : memref<3276800xi32, #tpu.memory_space<hbm>> -> memref<800xi32, #tpu.memory_space<hbm>>
      %dma_start3A_786 = arith.constant 0 : i32
      %dma_start3A_787 = tpu.memref_slice %arg5[%dma_start3A_781, %dma_start3A_786] : memref<4x800xi32, #tpu.memory_space<vmem>> -> memref<1x800xi32, #tpu.memory_space<vmem>>
      %dma_start3A_788 = tpu.memref_squeeze %dma_start3A_787 : memref<1x800xi32, #tpu.memory_space<vmem>> -> memref<800xi32, #tpu.memory_space<vmem>>
      %dma_start3A_789 = tpu.memref_slice %arg2[%add3A_780] : memref<3276800xi32, #tpu.memory_space<hbm>> -> memref<800xi32, #tpu.memory_space<hbm>>
      tpu.enqueue_dma source(%dma_start3A_789 : memref<800xi32, #tpu.memory_space<hbm>>) target(%dma_start3A_788 : memref<800xi32, #tpu.memory_space<vmem>>) target_semaphore(%arg7 : memref<!tpu.dma_semaphore, #tpu.memory_space<semaphore_mem>>)
      %mul3A_790 = arith.constant 4 : i32
      %mul3A_791 = arith.muli %scan3A_614, %mul3A_790 : i32
      %add3A_792 = arith.constant 2 : i32
      %add3A_793 = arith.addi %mul3A_791, %add3A_792 : i32
      %dma_wait3A_794 = arith.constant 2 : i32
      %dma_wait3A_795 = arith.constant 0 : i32
      %dma_wait3A_796 = tpu.memref_slice %arg5[%dma_wait3A_794, %dma_wait3A_795] : memref<4x800xi32, #tpu.memory_space<vmem>> -> memref<1x800xi32, #tpu.memory_space<vmem>>
      %dma_wait3A_797 = tpu.memref_squeeze %dma_wait3A_796 : memref<1x800xi32, #tpu.memory_space<vmem>> -> memref<800xi32, #tpu.memory_space<vmem>>
      %dma_wait3A_798 = arith.constant 0 : i32
      %dma_wait3A_799 = tpu.memref_slice %arg2[%dma_wait3A_798] : memref<3276800xi32, #tpu.memory_space<hbm>> -> memref<800xi32, #tpu.memory_space<hbm>>
      %dma_wait3A_800 = arith.constant 0 : i32
      %dma_wait3A_801 = tpu.memref_slice %arg5[%dma_wait3A_794, %dma_wait3A_800] : memref<4x800xi32, #tpu.memory_space<vmem>> -> memref<1x800xi32, #tpu.memory_space<vmem>>
      %dma_wait3A_802 = tpu.memref_squeeze %dma_wait3A_801 : memref<1x800xi32, #tpu.memory_space<vmem>> -> memref<800xi32, #tpu.memory_space<vmem>>
      %dma_wait3A_803 = arith.constant 0 : i32
      %dma_wait3A_804 = tpu.memref_slice %arg2[%dma_wait3A_803] : memref<3276800xi32, #tpu.memory_space<hbm>> -> memref<800xi32, #tpu.memory_space<hbm>>
      tpu.wait_dma2 semaphore(%arg9 : memref<!tpu.dma_semaphore, #tpu.memory_space<semaphore_mem>>) src(%dma_wait3A_804 : memref<800xi32, #tpu.memory_space<hbm>>) dst(%dma_wait3A_802 : memref<800xi32, #tpu.memory_space<vmem>>)
      %dma_wait3A_805 = arith.constant 2 : i32
      %dma_wait3A_806 = arith.constant 0 : i32
      %dma_wait3A_807 = arith.constant 0 : i32
      %dma_wait3A_808 = tpu.memref_slice %arg6[%dma_wait3A_805, %dma_wait3A_806, %dma_wait3A_807] : memref<4x800x32xf32, #tpu.memory_space<vmem>> -> memref<1x800x32xf32, #tpu.memory_space<vmem>>
      %dma_wait3A_809 = tpu.memref_squeeze %dma_wait3A_808 : memref<1x800x32xf32, #tpu.memory_space<vmem>> -> memref<800x32xf32, #tpu.memory_space<vmem>>
      %dma_wait3A_810 = arith.constant 0 : i32
      %dma_wait3A_811 = arith.constant 0 : i32
      %dma_wait3A_812 = tpu.memref_slice %arg4[%dma_wait3A_810, %dma_wait3A_811] : memref<3276800x32xf32, #tpu.memory_space<hbm>> -> memref<800x32xf32, #tpu.memory_space<hbm>>
      %dma_wait3A_813 = arith.constant 0 : i32
      %dma_wait3A_814 = arith.constant 0 : i32
      %dma_wait3A_815 = tpu.memref_slice %arg4[%dma_wait3A_813, %dma_wait3A_814] : memref<3276800x32xf32, #tpu.memory_space<hbm>> -> memref<800x32xf32, #tpu.memory_space<hbm>>
      %dma_wait3A_816 = arith.constant 0 : i32
      %dma_wait3A_817 = arith.constant 0 : i32
      %dma_wait3A_818 = tpu.memref_slice %arg6[%dma_wait3A_805, %dma_wait3A_816, %dma_wait3A_817] : memref<4x800x32xf32, #tpu.memory_space<vmem>> -> memref<1x800x32xf32, #tpu.memory_space<vmem>>
      %dma_wait3A_819 = tpu.memref_squeeze %dma_wait3A_818 : memref<1x800x32xf32, #tpu.memory_space<vmem>> -> memref<800x32xf32, #tpu.memory_space<vmem>>
      tpu.wait_dma2 semaphore(%arg17 : memref<!tpu.dma_semaphore, #tpu.memory_space<semaphore_mem>>) src(%dma_wait3A_819 : memref<800x32xf32, #tpu.memory_space<vmem>>) dst(%dma_wait3A_815 : memref<800x32xf32, #tpu.memory_space<hbm>>)
      %dma_start3A_820 = arith.constant 2 : i32
      %dma_start3A_821 = arith.constant 2 : i32
      %dma_start3A_822 = arith.constant 0 : i32
      %dma_start3A_823 = arith.constant 0 : i32
      %dma_start3A_824 = tpu.memref_slice %arg6[%dma_start3A_821, %dma_start3A_822, %dma_start3A_823] : memref<4x800x32xf32, #tpu.memory_space<vmem>> -> memref<1x800x32xf32, #tpu.memory_space<vmem>>
      %dma_start3A_825 = tpu.memref_squeeze %dma_start3A_824 : memref<1x800x32xf32, #tpu.memory_space<vmem>> -> memref<800x32xf32, #tpu.memory_space<vmem>>
      %dma_start3A_826 = arith.constant 0 : i32
      %dma_start3A_827 = tpu.memref_slice %arg5[%dma_start3A_820, %dma_start3A_826] : memref<4x800xi32, #tpu.memory_space<vmem>> -> memref<1x800xi32, #tpu.memory_space<vmem>>
      %dma_start3A_828 = tpu.memref_squeeze %dma_start3A_827 : memref<1x800xi32, #tpu.memory_space<vmem>> -> memref<800xi32, #tpu.memory_space<vmem>>
      %dma_start3A_829 = arith.constant 0 : i32
      %dma_start3A_830 = arith.constant 0 : i32
      %dma_start3A_831 = tpu.memref_slice %arg3[%dma_start3A_829, %dma_start3A_830] : memref<1000000x32xf32, #tpu.memory_space<hbm>> -> memref<1000000x32xf32, #tpu.memory_space<hbm>>
      tpu.enqueue_indirect_dma source(%dma_start3A_831 : memref<1000000x32xf32, #tpu.memory_space<hbm>>) target(%dma_start3A_825 : memref<800x32xf32, #tpu.memory_space<vmem>>) offsets(%dma_start3A_828 : memref<800xi32, #tpu.memory_space<vmem>>) semaphore(%arg13 : memref<!tpu.dma_semaphore, #tpu.memory_space<semaphore_mem>>)
      %dma_wait3A_832 = arith.constant 1 : i32
      %dma_wait3A_833 = arith.constant 1 : i32
      %dma_wait3A_834 = arith.constant 0 : i32
      %dma_wait3A_835 = arith.constant 0 : i32
      %dma_wait3A_836 = tpu.memref_slice %arg6[%dma_wait3A_833, %dma_wait3A_834, %dma_wait3A_835] : memref<4x800x32xf32, #tpu.memory_space<vmem>> -> memref<1x800x32xf32, #tpu.memory_space<vmem>>
      %dma_wait3A_837 = tpu.memref_squeeze %dma_wait3A_836 : memref<1x800x32xf32, #tpu.memory_space<vmem>> -> memref<800x32xf32, #tpu.memory_space<vmem>>
      %dma_wait3A_838 = arith.constant 0 : i32
      %dma_wait3A_839 = tpu.memref_slice %arg5[%dma_wait3A_832, %dma_wait3A_838] : memref<4x800xi32, #tpu.memory_space<vmem>> -> memref<1x800xi32, #tpu.memory_space<vmem>>
      %dma_wait3A_840 = tpu.memref_squeeze %dma_wait3A_839 : memref<1x800xi32, #tpu.memory_space<vmem>> -> memref<800xi32, #tpu.memory_space<vmem>>
      %dma_wait3A_841 = arith.constant 0 : i32
      %dma_wait3A_842 = arith.constant 0 : i32
      %dma_wait3A_843 = tpu.memref_slice %arg3[%dma_wait3A_841, %dma_wait3A_842] : memref<1000000x32xf32, #tpu.memory_space<hbm>> -> memref<1000000x32xf32, #tpu.memory_space<hbm>>
      tpu.wait_indirect_dma semaphore(%arg12 : memref<!tpu.dma_semaphore, #tpu.memory_space<semaphore_mem>>) src(%dma_wait3A_843 : memref<1000000x32xf32, #tpu.memory_space<hbm>>) dst(%dma_wait3A_837 : memref<800x32xf32, #tpu.memory_space<vmem>>)
      %sub3A_844 = arith.constant 1 : i32
      %sub3A_845 = arith.subi %add3A_793, %sub3A_844 : i32
      %mul3A_846 = arith.constant 800 : i32
      %mul3A_847 = arith.muli %sub3A_845, %mul3A_846 : i32
      %add3A_848 = arith.addi %mul3A_2, %mul3A_847 : i32
      %dma_start3A_849 = arith.constant 1 : i32
      %dma_start3A_850 = arith.constant 0 : i32
      %dma_start3A_851 = arith.constant 0 : i32
      %dma_start3A_852 = tpu.memref_slice %arg6[%dma_start3A_849, %dma_start3A_850, %dma_start3A_851] : memref<4x800x32xf32, #tpu.memory_space<vmem>> -> memref<1x800x32xf32, #tpu.memory_space<vmem>>
      %dma_start3A_853 = tpu.memref_squeeze %dma_start3A_852 : memref<1x800x32xf32, #tpu.memory_space<vmem>> -> memref<800x32xf32, #tpu.memory_space<vmem>>
      %dma_start3A_854 = arith.constant 0 : i32
      %dma_start3A_855 = tpu.memref_slice %arg4[%add3A_848, %dma_start3A_854] : memref<3276800x32xf32, #tpu.memory_space<hbm>> -> memref<800x32xf32, #tpu.memory_space<hbm>>
      %dma_start3A_856 = arith.constant 0 : i32
      %dma_start3A_857 = tpu.memref_slice %arg4[%add3A_848, %dma_start3A_856] : memref<3276800x32xf32, #tpu.memory_space<hbm>> -> memref<800x32xf32, #tpu.memory_space<hbm>>
      %dma_start3A_858 = arith.constant 0 : i32
      %dma_start3A_859 = arith.constant 0 : i32
      %dma_start3A_860 = tpu.memref_slice %arg6[%dma_start3A_849, %dma_start3A_858, %dma_start3A_859] : memref<4x800x32xf32, #tpu.memory_space<vmem>> -> memref<1x800x32xf32, #tpu.memory_space<vmem>>
      %dma_start3A_861 = tpu.memref_squeeze %dma_start3A_860 : memref<1x800x32xf32, #tpu.memory_space<vmem>> -> memref<800x32xf32, #tpu.memory_space<vmem>>
      tpu.enqueue_dma source(%dma_start3A_861 : memref<800x32xf32, #tpu.memory_space<vmem>>) target(%dma_start3A_857 : memref<800x32xf32, #tpu.memory_space<hbm>>) target_semaphore(%arg16 : memref<!tpu.dma_semaphore, #tpu.memory_space<semaphore_mem>>)
      %sub3A_862 = arith.constant 1 : i32
      %sub3A_863 = arith.subi %add3A_793, %sub3A_862 : i32
      %add3A_864 = arith.constant 4 : i32
      %add3A_865 = arith.addi %sub3A_863, %add3A_864 : i32
      %mul3A_866 = arith.constant 800 : i32
      %mul3A_867 = arith.muli %add3A_865, %mul3A_866 : i32
      %add3A_868 = arith.addi %mul3A_2, %mul3A_867 : i32
      %dma_start3A_869 = arith.constant 1 : i32
      %dma_start3A_870 = arith.constant 0 : i32
      %dma_start3A_871 = tpu.memref_slice %arg5[%dma_start3A_869, %dma_start3A_870] : memref<4x800xi32, #tpu.memory_space<vmem>> -> memref<1x800xi32, #tpu.memory_space<vmem>>
      %dma_start3A_872 = tpu.memref_squeeze %dma_start3A_871 : memref<1x800xi32, #tpu.memory_space<vmem>> -> memref<800xi32, #tpu.memory_space<vmem>>
      %dma_start3A_873 = tpu.memref_slice %arg2[%add3A_868] : memref<3276800xi32, #tpu.memory_space<hbm>> -> memref<800xi32, #tpu.memory_space<hbm>>
      %dma_start3A_874 = arith.constant 0 : i32
      %dma_start3A_875 = tpu.memref_slice %arg5[%dma_start3A_869, %dma_start3A_874] : memref<4x800xi32, #tpu.memory_space<vmem>> -> memref<1x800xi32, #tpu.memory_space<vmem>>
      %dma_start3A_876 = tpu.memref_squeeze %dma_start3A_875 : memref<1x800xi32, #tpu.memory_space<vmem>> -> memref<800xi32, #tpu.memory_space<vmem>>
      %dma_start3A_877 = tpu.memref_slice %arg2[%add3A_868] : memref<3276800xi32, #tpu.memory_space<hbm>> -> memref<800xi32, #tpu.memory_space<hbm>>
      tpu.enqueue_dma source(%dma_start3A_877 : memref<800xi32, #tpu.memory_space<hbm>>) target(%dma_start3A_876 : memref<800xi32, #tpu.memory_space<vmem>>) target_semaphore(%arg8 : memref<!tpu.dma_semaphore, #tpu.memory_space<semaphore_mem>>)
      %mul3A_878 = arith.constant 4 : i32
      %mul3A_879 = arith.muli %scan3A_614, %mul3A_878 : i32
      %add3A_880 = arith.constant 3 : i32
      %add3A_881 = arith.addi %mul3A_879, %add3A_880 : i32
      %dma_wait3A_882 = arith.constant 3 : i32
      %dma_wait3A_883 = arith.constant 0 : i32
      %dma_wait3A_884 = tpu.memref_slice %arg5[%dma_wait3A_882, %dma_wait3A_883] : memref<4x800xi32, #tpu.memory_space<vmem>> -> memref<1x800xi32, #tpu.memory_space<vmem>>
      %dma_wait3A_885 = tpu.memref_squeeze %dma_wait3A_884 : memref<1x800xi32, #tpu.memory_space<vmem>> -> memref<800xi32, #tpu.memory_space<vmem>>
      %dma_wait3A_886 = arith.constant 0 : i32
      %dma_wait3A_887 = tpu.memref_slice %arg2[%dma_wait3A_886] : memref<3276800xi32, #tpu.memory_space<hbm>> -> memref<800xi32, #tpu.memory_space<hbm>>
      %dma_wait3A_888 = arith.constant 0 : i32
      %dma_wait3A_889 = tpu.memref_slice %arg5[%dma_wait3A_882, %dma_wait3A_888] : memref<4x800xi32, #tpu.memory_space<vmem>> -> memref<1x800xi32, #tpu.memory_space<vmem>>
      %dma_wait3A_890 = tpu.memref_squeeze %dma_wait3A_889 : memref<1x800xi32, #tpu.memory_space<vmem>> -> memref<800xi32, #tpu.memory_space<vmem>>
      %dma_wait3A_891 = arith.constant 0 : i32
      %dma_wait3A_892 = tpu.memref_slice %arg2[%dma_wait3A_891] : memref<3276800xi32, #tpu.memory_space<hbm>> -> memref<800xi32, #tpu.memory_space<hbm>>
      tpu.wait_dma2 semaphore(%arg10 : memref<!tpu.dma_semaphore, #tpu.memory_space<semaphore_mem>>) src(%dma_wait3A_892 : memref<800xi32, #tpu.memory_space<hbm>>) dst(%dma_wait3A_890 : memref<800xi32, #tpu.memory_space<vmem>>)
      %dma_wait3A_893 = arith.constant 3 : i32
      %dma_wait3A_894 = arith.constant 0 : i32
      %dma_wait3A_895 = arith.constant 0 : i32
      %dma_wait3A_896 = tpu.memref_slice %arg6[%dma_wait3A_893, %dma_wait3A_894, %dma_wait3A_895] : memref<4x800x32xf32, #tpu.memory_space<vmem>> -> memref<1x800x32xf32, #tpu.memory_space<vmem>>
      %dma_wait3A_897 = tpu.memref_squeeze %dma_wait3A_896 : memref<1x800x32xf32, #tpu.memory_space<vmem>> -> memref<800x32xf32, #tpu.memory_space<vmem>>
      %dma_wait3A_898 = arith.constant 0 : i32
      %dma_wait3A_899 = arith.constant 0 : i32
      %dma_wait3A_900 = tpu.memref_slice %arg4[%dma_wait3A_898, %dma_wait3A_899] : memref<3276800x32xf32, #tpu.memory_space<hbm>> -> memref<800x32xf32, #tpu.memory_space<hbm>>
      %dma_wait3A_901 = arith.constant 0 : i32
      %dma_wait3A_902 = arith.constant 0 : i32
      %dma_wait3A_903 = tpu.memref_slice %arg4[%dma_wait3A_901, %dma_wait3A_902] : memref<3276800x32xf32, #tpu.memory_space<hbm>> -> memref<800x32xf32, #tpu.memory_space<hbm>>
      %dma_wait3A_904 = arith.constant 0 : i32
      %dma_wait3A_905 = arith.constant 0 : i32
      %dma_wait3A_906 = tpu.memref_slice %arg6[%dma_wait3A_893, %dma_wait3A_904, %dma_wait3A_905] : memref<4x800x32xf32, #tpu.memory_space<vmem>> -> memref<1x800x32xf32, #tpu.memory_space<vmem>>
      %dma_wait3A_907 = tpu.memref_squeeze %dma_wait3A_906 : memref<1x800x32xf32, #tpu.memory_space<vmem>> -> memref<800x32xf32, #tpu.memory_space<vmem>>
      tpu.wait_dma2 semaphore(%arg18 : memref<!tpu.dma_semaphore, #tpu.memory_space<semaphore_mem>>) src(%dma_wait3A_907 : memref<800x32xf32, #tpu.memory_space<vmem>>) dst(%dma_wait3A_903 : memref<800x32xf32, #tpu.memory_space<hbm>>)
      %dma_start3A_908 = arith.constant 3 : i32
      %dma_start3A_909 = arith.constant 3 : i32
      %dma_start3A_910 = arith.constant 0 : i32
      %dma_start3A_911 = arith.constant 0 : i32
      %dma_start3A_912 = tpu.memref_slice %arg6[%dma_start3A_909, %dma_start3A_910, %dma_start3A_911] : memref<4x800x32xf32, #tpu.memory_space<vmem>> -> memref<1x800x32xf32, #tpu.memory_space<vmem>>
      %dma_start3A_913 = tpu.memref_squeeze %dma_start3A_912 : memref<1x800x32xf32, #tpu.memory_space<vmem>> -> memref<800x32xf32, #tpu.memory_space<vmem>>
      %dma_start3A_914 = arith.constant 0 : i32
      %dma_start3A_915 = tpu.memref_slice %arg5[%dma_start3A_908, %dma_start3A_914] : memref<4x800xi32, #tpu.memory_space<vmem>> -> memref<1x800xi32, #tpu.memory_space<vmem>>
      %dma_start3A_916 = tpu.memref_squeeze %dma_start3A_915 : memref<1x800xi32, #tpu.memory_space<vmem>> -> memref<800xi32, #tpu.memory_space<vmem>>
      %dma_start3A_917 = arith.constant 0 : i32
      %dma_start3A_918 = arith.constant 0 : i32
      %dma_start3A_919 = tpu.memref_slice %arg3[%dma_start3A_917, %dma_start3A_918] : memref<1000000x32xf32, #tpu.memory_space<hbm>> -> memref<1000000x32xf32, #tpu.memory_space<hbm>>
      tpu.enqueue_indirect_dma source(%dma_start3A_919 : memref<1000000x32xf32, #tpu.memory_space<hbm>>) target(%dma_start3A_913 : memref<800x32xf32, #tpu.memory_space<vmem>>) offsets(%dma_start3A_916 : memref<800xi32, #tpu.memory_space<vmem>>) semaphore(%arg14 : memref<!tpu.dma_semaphore, #tpu.memory_space<semaphore_mem>>)
      %dma_wait3A_920 = arith.constant 2 : i32
      %dma_wait3A_921 = arith.constant 2 : i32
      %dma_wait3A_922 = arith.constant 0 : i32
      %dma_wait3A_923 = arith.constant 0 : i32
      %dma_wait3A_924 = tpu.memref_slice %arg6[%dma_wait3A_921, %dma_wait3A_922, %dma_wait3A_923] : memref<4x800x32xf32, #tpu.memory_space<vmem>> -> memref<1x800x32xf32, #tpu.memory_space<vmem>>
      %dma_wait3A_925 = tpu.memref_squeeze %dma_wait3A_924 : memref<1x800x32xf32, #tpu.memory_space<vmem>> -> memref<800x32xf32, #tpu.memory_space<vmem>>
      %dma_wait3A_926 = arith.constant 0 : i32
      %dma_wait3A_927 = tpu.memref_slice %arg5[%dma_wait3A_920, %dma_wait3A_926] : memref<4x800xi32, #tpu.memory_space<vmem>> -> memref<1x800xi32, #tpu.memory_space<vmem>>
      %dma_wait3A_928 = tpu.memref_squeeze %dma_wait3A_927 : memref<1x800xi32, #tpu.memory_space<vmem>> -> memref<800xi32, #tpu.memory_space<vmem>>
      %dma_wait3A_929 = arith.constant 0 : i32
      %dma_wait3A_930 = arith.constant 0 : i32
      %dma_wait3A_931 = tpu.memref_slice %arg3[%dma_wait3A_929, %dma_wait3A_930] : memref<1000000x32xf32, #tpu.memory_space<hbm>> -> memref<1000000x32xf32, #tpu.memory_space<hbm>>
      tpu.wait_indirect_dma semaphore(%arg13 : memref<!tpu.dma_semaphore, #tpu.memory_space<semaphore_mem>>) src(%dma_wait3A_931 : memref<1000000x32xf32, #tpu.memory_space<hbm>>) dst(%dma_wait3A_925 : memref<800x32xf32, #tpu.memory_space<vmem>>)
      %sub3A_932 = arith.constant 1 : i32
      %sub3A_933 = arith.subi %add3A_881, %sub3A_932 : i32
      %mul3A_934 = arith.constant 800 : i32
      %mul3A_935 = arith.muli %sub3A_933, %mul3A_934 : i32
      %add3A_936 = arith.addi %mul3A_2, %mul3A_935 : i32
      %dma_start3A_937 = arith.constant 2 : i32
      %dma_start3A_938 = arith.constant 0 : i32
      %dma_start3A_939 = arith.constant 0 : i32
      %dma_start3A_940 = tpu.memref_slice %arg6[%dma_start3A_937, %dma_start3A_938, %dma_start3A_939] : memref<4x800x32xf32, #tpu.memory_space<vmem>> -> memref<1x800x32xf32, #tpu.memory_space<vmem>>
      %dma_start3A_941 = tpu.memref_squeeze %dma_start3A_940 : memref<1x800x32xf32, #tpu.memory_space<vmem>> -> memref<800x32xf32, #tpu.memory_space<vmem>>
      %dma_start3A_942 = arith.constant 0 : i32
      %dma_start3A_943 = tpu.memref_slice %arg4[%add3A_936, %dma_start3A_942] : memref<3276800x32xf32, #tpu.memory_space<hbm>> -> memref<800x32xf32, #tpu.memory_space<hbm>>
      %dma_start3A_944 = arith.constant 0 : i32
      %dma_start3A_945 = tpu.memref_slice %arg4[%add3A_936, %dma_start3A_944] : memref<3276800x32xf32, #tpu.memory_space<hbm>> -> memref<800x32xf32, #tpu.memory_space<hbm>>
      %dma_start3A_946 = arith.constant 0 : i32
      %dma_start3A_947 = arith.constant 0 : i32
      %dma_start3A_948 = tpu.memref_slice %arg6[%dma_start3A_937, %dma_start3A_946, %dma_start3A_947] : memref<4x800x32xf32, #tpu.memory_space<vmem>> -> memref<1x800x32xf32, #tpu.memory_space<vmem>>
      %dma_start3A_949 = tpu.memref_squeeze %dma_start3A_948 : memref<1x800x32xf32, #tpu.memory_space<vmem>> -> memref<800x32xf32, #tpu.memory_space<vmem>>
      tpu.enqueue_dma source(%dma_start3A_949 : memref<800x32xf32, #tpu.memory_space<vmem>>) target(%dma_start3A_945 : memref<800x32xf32, #tpu.memory_space<hbm>>) target_semaphore(%arg17 : memref<!tpu.dma_semaphore, #tpu.memory_space<semaphore_mem>>)
      %sub3A_950 = arith.constant 1 : i32
      %sub3A_951 = arith.subi %add3A_881, %sub3A_950 : i32
      %add3A_952 = arith.constant 4 : i32
      %add3A_953 = arith.addi %sub3A_951, %add3A_952 : i32
      %mul3A_954 = arith.constant 800 : i32
      %mul3A_955 = arith.muli %add3A_953, %mul3A_954 : i32
      %add3A_956 = arith.addi %mul3A_2, %mul3A_955 : i32
      %dma_start3A_957 = arith.constant 2 : i32
      %dma_start3A_958 = arith.constant 0 : i32
      %dma_start3A_959 = tpu.memref_slice %arg5[%dma_start3A_957, %dma_start3A_958] : memref<4x800xi32, #tpu.memory_space<vmem>> -> memref<1x800xi32, #tpu.memory_space<vmem>>
      %dma_start3A_960 = tpu.memref_squeeze %dma_start3A_959 : memref<1x800xi32, #tpu.memory_space<vmem>> -> memref<800xi32, #tpu.memory_space<vmem>>
      %dma_start3A_961 = tpu.memref_slice %arg2[%add3A_956] : memref<3276800xi32, #tpu.memory_space<hbm>> -> memref<800xi32, #tpu.memory_space<hbm>>
      %dma_start3A_962 = arith.constant 0 : i32
      %dma_start3A_963 = tpu.memref_slice %arg5[%dma_start3A_957, %dma_start3A_962] : memref<4x800xi32, #tpu.memory_space<vmem>> -> memref<1x800xi32, #tpu.memory_space<vmem>>
      %dma_start3A_964 = tpu.memref_squeeze %dma_start3A_963 : memref<1x800xi32, #tpu.memory_space<vmem>> -> memref<800xi32, #tpu.memory_space<vmem>>
      %dma_start3A_965 = tpu.memref_slice %arg2[%add3A_956] : memref<3276800xi32, #tpu.memory_space<hbm>> -> memref<800xi32, #tpu.memory_space<hbm>>
      tpu.enqueue_dma source(%dma_start3A_965 : memref<800xi32, #tpu.memory_space<hbm>>) target(%dma_start3A_964 : memref<800xi32, #tpu.memory_space<vmem>>) target_semaphore(%arg9 : memref<!tpu.dma_semaphore, #tpu.memory_space<semaphore_mem>>)
    }
    %scan3A_255 = arith.constant 30 : i32
    %dma_wait3A_256 = arith.constant 0 : i32
    %dma_wait3A_257 = arith.constant 0 : i32
    %dma_wait3A_258 = tpu.memref_slice %arg5[%dma_wait3A_256, %dma_wait3A_257] : memref<4x800xi32, #tpu.memory_space<vmem>> -> memref<1x800xi32, #tpu.memory_space<vmem>>
    %dma_wait3A_259 = tpu.memref_squeeze %dma_wait3A_258 : memref<1x800xi32, #tpu.memory_space<vmem>> -> memref<800xi32, #tpu.memory_space<vmem>>
    %dma_wait3A_260 = arith.constant 0 : i32
    %dma_wait3A_261 = tpu.memref_slice %arg2[%dma_wait3A_260] : memref<3276800xi32, #tpu.memory_space<hbm>> -> memref<800xi32, #tpu.memory_space<hbm>>
    %dma_wait3A_262 = arith.constant 0 : i32
    %dma_wait3A_263 = tpu.memref_slice %arg5[%dma_wait3A_256, %dma_wait3A_262] : memref<4x800xi32, #tpu.memory_space<vmem>> -> memref<1x800xi32, #tpu.memory_space<vmem>>
    %dma_wait3A_264 = tpu.memref_squeeze %dma_wait3A_263 : memref<1x800xi32, #tpu.memory_space<vmem>> -> memref<800xi32, #tpu.memory_space<vmem>>
    %dma_wait3A_265 = arith.constant 0 : i32
    %dma_wait3A_266 = tpu.memref_slice %arg2[%dma_wait3A_265] : memref<3276800xi32, #tpu.memory_space<hbm>> -> memref<800xi32, #tpu.memory_space<hbm>>
    tpu.wait_dma2 semaphore(%arg7 : memref<!tpu.dma_semaphore, #tpu.memory_space<semaphore_mem>>) src(%dma_wait3A_266 : memref<800xi32, #tpu.memory_space<hbm>>) dst(%dma_wait3A_264 : memref<800xi32, #tpu.memory_space<vmem>>)
    %dma_wait3A_267 = arith.constant 0 : i32
    %dma_wait3A_268 = arith.constant 0 : i32
    %dma_wait3A_269 = arith.constant 0 : i32
    %dma_wait3A_270 = tpu.memref_slice %arg6[%dma_wait3A_267, %dma_wait3A_268, %dma_wait3A_269] : memref<4x800x32xf32, #tpu.memory_space<vmem>> -> memref<1x800x32xf32, #tpu.memory_space<vmem>>
    %dma_wait3A_271 = tpu.memref_squeeze %dma_wait3A_270 : memref<1x800x32xf32, #tpu.memory_space<vmem>> -> memref<800x32xf32, #tpu.memory_space<vmem>>
    %dma_wait3A_272 = arith.constant 0 : i32
    %dma_wait3A_273 = arith.constant 0 : i32
    %dma_wait3A_274 = tpu.memref_slice %arg4[%dma_wait3A_272, %dma_wait3A_273] : memref<3276800x32xf32, #tpu.memory_space<hbm>> -> memref<800x32xf32, #tpu.memory_space<hbm>>
    %dma_wait3A_275 = arith.constant 0 : i32
    %dma_wait3A_276 = arith.constant 0 : i32
    %dma_wait3A_277 = tpu.memref_slice %arg4[%dma_wait3A_275, %dma_wait3A_276] : memref<3276800x32xf32, #tpu.memory_space<hbm>> -> memref<800x32xf32, #tpu.memory_space<hbm>>
    %dma_wait3A_278 = arith.constant 0 : i32
    %dma_wait3A_279 = arith.constant 0 : i32
    %dma_wait3A_280 = tpu.memref_slice %arg6[%dma_wait3A_267, %dma_wait3A_278, %dma_wait3A_279] : memref<4x800x32xf32, #tpu.memory_space<vmem>> -> memref<1x800x32xf32, #tpu.memory_space<vmem>>
    %dma_wait3A_281 = tpu.memref_squeeze %dma_wait3A_280 : memref<1x800x32xf32, #tpu.memory_space<vmem>> -> memref<800x32xf32, #tpu.memory_space<vmem>>
    tpu.wait_dma2 semaphore(%arg15 : memref<!tpu.dma_semaphore, #tpu.memory_space<semaphore_mem>>) src(%dma_wait3A_281 : memref<800x32xf32, #tpu.memory_space<vmem>>) dst(%dma_wait3A_277 : memref<800x32xf32, #tpu.memory_space<hbm>>)
    %dma_start3A_282 = arith.constant 0 : i32
    %dma_start3A_283 = arith.constant 0 : i32
    %dma_start3A_284 = arith.constant 0 : i32
    %dma_start3A_285 = arith.constant 0 : i32
    %dma_start3A_286 = tpu.memref_slice %arg6[%dma_start3A_283, %dma_start3A_284, %dma_start3A_285] : memref<4x800x32xf32, #tpu.memory_space<vmem>> -> memref<1x800x32xf32, #tpu.memory_space<vmem>>
    %dma_start3A_287 = tpu.memref_squeeze %dma_start3A_286 : memref<1x800x32xf32, #tpu.memory_space<vmem>> -> memref<800x32xf32, #tpu.memory_space<vmem>>
    %dma_start3A_288 = arith.constant 0 : i32
    %dma_start3A_289 = tpu.memref_slice %arg5[%dma_start3A_282, %dma_start3A_288] : memref<4x800xi32, #tpu.memory_space<vmem>> -> memref<1x800xi32, #tpu.memory_space<vmem>>
    %dma_start3A_290 = tpu.memref_squeeze %dma_start3A_289 : memref<1x800xi32, #tpu.memory_space<vmem>> -> memref<800xi32, #tpu.memory_space<vmem>>
    %dma_start3A_291 = arith.constant 0 : i32
    %dma_start3A_292 = arith.constant 0 : i32
    %dma_start3A_293 = tpu.memref_slice %arg3[%dma_start3A_291, %dma_start3A_292] : memref<1000000x32xf32, #tpu.memory_space<hbm>> -> memref<1000000x32xf32, #tpu.memory_space<hbm>>
    tpu.enqueue_indirect_dma source(%dma_start3A_293 : memref<1000000x32xf32, #tpu.memory_space<hbm>>) target(%dma_start3A_287 : memref<800x32xf32, #tpu.memory_space<vmem>>) offsets(%dma_start3A_290 : memref<800xi32, #tpu.memory_space<vmem>>) semaphore(%arg11 : memref<!tpu.dma_semaphore, #tpu.memory_space<semaphore_mem>>)
    %dma_wait3A_294 = arith.constant 3 : i32
    %dma_wait3A_295 = arith.constant 3 : i32
    %dma_wait3A_296 = arith.constant 0 : i32
    %dma_wait3A_297 = arith.constant 0 : i32
    %dma_wait3A_298 = tpu.memref_slice %arg6[%dma_wait3A_295, %dma_wait3A_296, %dma_wait3A_297] : memref<4x800x32xf32, #tpu.memory_space<vmem>> -> memref<1x800x32xf32, #tpu.memory_space<vmem>>
    %dma_wait3A_299 = tpu.memref_squeeze %dma_wait3A_298 : memref<1x800x32xf32, #tpu.memory_space<vmem>> -> memref<800x32xf32, #tpu.memory_space<vmem>>
    %dma_wait3A_300 = arith.constant 0 : i32
    %dma_wait3A_301 = tpu.memref_slice %arg5[%dma_wait3A_294, %dma_wait3A_300] : memref<4x800xi32, #tpu.memory_space<vmem>> -> memref<1x800xi32, #tpu.memory_space<vmem>>
    %dma_wait3A_302 = tpu.memref_squeeze %dma_wait3A_301 : memref<1x800xi32, #tpu.memory_space<vmem>> -> memref<800xi32, #tpu.memory_space<vmem>>
    %dma_wait3A_303 = arith.constant 0 : i32
    %dma_wait3A_304 = arith.constant 0 : i32
    %dma_wait3A_305 = tpu.memref_slice %arg3[%dma_wait3A_303, %dma_wait3A_304] : memref<1000000x32xf32, #tpu.memory_space<hbm>> -> memref<1000000x32xf32, #tpu.memory_space<hbm>>
    tpu.wait_indirect_dma semaphore(%arg14 : memref<!tpu.dma_semaphore, #tpu.memory_space<semaphore_mem>>) src(%dma_wait3A_305 : memref<1000000x32xf32, #tpu.memory_space<hbm>>) dst(%dma_wait3A_299 : memref<800x32xf32, #tpu.memory_space<vmem>>)
    %add3A_306 = arith.constant 98400 : i32
    %add3A_307 = arith.addi %mul3A_2, %add3A_306 : i32
    %dma_start3A_308 = arith.constant 3 : i32
    %dma_start3A_309 = arith.constant 0 : i32
    %dma_start3A_310 = arith.constant 0 : i32
    %dma_start3A_311 = tpu.memref_slice %arg6[%dma_start3A_308, %dma_start3A_309, %dma_start3A_310] : memref<4x800x32xf32, #tpu.memory_space<vmem>> -> memref<1x800x32xf32, #tpu.memory_space<vmem>>
    %dma_start3A_312 = tpu.memref_squeeze %dma_start3A_311 : memref<1x800x32xf32, #tpu.memory_space<vmem>> -> memref<800x32xf32, #tpu.memory_space<vmem>>
    %dma_start3A_313 = arith.constant 0 : i32
    %dma_start3A_314 = tpu.memref_slice %arg4[%add3A_307, %dma_start3A_313] : memref<3276800x32xf32, #tpu.memory_space<hbm>> -> memref<800x32xf32, #tpu.memory_space<hbm>>
    %dma_start3A_315 = arith.constant 0 : i32
    %dma_start3A_316 = tpu.memref_slice %arg4[%add3A_307, %dma_start3A_315] : memref<3276800x32xf32, #tpu.memory_space<hbm>> -> memref<800x32xf32, #tpu.memory_space<hbm>>
    %dma_start3A_317 = arith.constant 0 : i32
    %dma_start3A_318 = arith.constant 0 : i32
    %dma_start3A_319 = tpu.memref_slice %arg6[%dma_start3A_308, %dma_start3A_317, %dma_start3A_318] : memref<4x800x32xf32, #tpu.memory_space<vmem>> -> memref<1x800x32xf32, #tpu.memory_space<vmem>>
    %dma_start3A_320 = tpu.memref_squeeze %dma_start3A_319 : memref<1x800x32xf32, #tpu.memory_space<vmem>> -> memref<800x32xf32, #tpu.memory_space<vmem>>
    tpu.enqueue_dma source(%dma_start3A_320 : memref<800x32xf32, #tpu.memory_space<vmem>>) target(%dma_start3A_316 : memref<800x32xf32, #tpu.memory_space<hbm>>) target_semaphore(%arg18 : memref<!tpu.dma_semaphore, #tpu.memory_space<semaphore_mem>>)
    %add3A_321 = arith.constant 101600 : i32
    %add3A_322 = arith.addi %mul3A_2, %add3A_321 : i32
    %dma_start3A_323 = arith.constant 3 : i32
    %dma_start3A_324 = arith.constant 0 : i32
    %dma_start3A_325 = tpu.memref_slice %arg5[%dma_start3A_323, %dma_start3A_324] : memref<4x800xi32, #tpu.memory_space<vmem>> -> memref<1x800xi32, #tpu.memory_space<vmem>>
    %dma_start3A_326 = tpu.memref_squeeze %dma_start3A_325 : memref<1x800xi32, #tpu.memory_space<vmem>> -> memref<800xi32, #tpu.memory_space<vmem>>
    %dma_start3A_327 = tpu.memref_slice %arg2[%add3A_322] : memref<3276800xi32, #tpu.memory_space<hbm>> -> memref<800xi32, #tpu.memory_space<hbm>>
    %dma_start3A_328 = arith.constant 0 : i32
    %dma_start3A_329 = tpu.memref_slice %arg5[%dma_start3A_323, %dma_start3A_328] : memref<4x800xi32, #tpu.memory_space<vmem>> -> memref<1x800xi32, #tpu.memory_space<vmem>>
    %dma_start3A_330 = tpu.memref_squeeze %dma_start3A_329 : memref<1x800xi32, #tpu.memory_space<vmem>> -> memref<800xi32, #tpu.memory_space<vmem>>
    %dma_start3A_331 = tpu.memref_slice %arg2[%add3A_322] : memref<3276800xi32, #tpu.memory_space<hbm>> -> memref<800xi32, #tpu.memory_space<hbm>>
    tpu.enqueue_dma source(%dma_start3A_331 : memref<800xi32, #tpu.memory_space<hbm>>) target(%dma_start3A_330 : memref<800xi32, #tpu.memory_space<vmem>>) target_semaphore(%arg10 : memref<!tpu.dma_semaphore, #tpu.memory_space<semaphore_mem>>)
    %dma_wait3A_332 = arith.constant 1 : i32
    %dma_wait3A_333 = arith.constant 0 : i32
    %dma_wait3A_334 = tpu.memref_slice %arg5[%dma_wait3A_332, %dma_wait3A_333] : memref<4x800xi32, #tpu.memory_space<vmem>> -> memref<1x800xi32, #tpu.memory_space<vmem>>
    %dma_wait3A_335 = tpu.memref_squeeze %dma_wait3A_334 : memref<1x800xi32, #tpu.memory_space<vmem>> -> memref<800xi32, #tpu.memory_space<vmem>>
    %dma_wait3A_336 = arith.constant 0 : i32
    %dma_wait3A_337 = tpu.memref_slice %arg2[%dma_wait3A_336] : memref<3276800xi32, #tpu.memory_space<hbm>> -> memref<800xi32, #tpu.memory_space<hbm>>
    %dma_wait3A_338 = arith.constant 0 : i32
    %dma_wait3A_339 = tpu.memref_slice %arg5[%dma_wait3A_332, %dma_wait3A_338] : memref<4x800xi32, #tpu.memory_space<vmem>> -> memref<1x800xi32, #tpu.memory_space<vmem>>
    %dma_wait3A_340 = tpu.memref_squeeze %dma_wait3A_339 : memref<1x800xi32, #tpu.memory_space<vmem>> -> memref<800xi32, #tpu.memory_space<vmem>>
    %dma_wait3A_341 = arith.constant 0 : i32
    %dma_wait3A_342 = tpu.memref_slice %arg2[%dma_wait3A_341] : memref<3276800xi32, #tpu.memory_space<hbm>> -> memref<800xi32, #tpu.memory_space<hbm>>
    tpu.wait_dma2 semaphore(%arg8 : memref<!tpu.dma_semaphore, #tpu.memory_space<semaphore_mem>>) src(%dma_wait3A_342 : memref<800xi32, #tpu.memory_space<hbm>>) dst(%dma_wait3A_340 : memref<800xi32, #tpu.memory_space<vmem>>)
    %dma_wait3A_343 = arith.constant 1 : i32
    %dma_wait3A_344 = arith.constant 0 : i32
    %dma_wait3A_345 = arith.constant 0 : i32
    %dma_wait3A_346 = tpu.memref_slice %arg6[%dma_wait3A_343, %dma_wait3A_344, %dma_wait3A_345] : memref<4x800x32xf32, #tpu.memory_space<vmem>> -> memref<1x800x32xf32, #tpu.memory_space<vmem>>
    %dma_wait3A_347 = tpu.memref_squeeze %dma_wait3A_346 : memref<1x800x32xf32, #tpu.memory_space<vmem>> -> memref<800x32xf32, #tpu.memory_space<vmem>>
    %dma_wait3A_348 = arith.constant 0 : i32
    %dma_wait3A_349 = arith.constant 0 : i32
    %dma_wait3A_350 = tpu.memref_slice %arg4[%dma_wait3A_348, %dma_wait3A_349] : memref<3276800x32xf32, #tpu.memory_space<hbm>> -> memref<800x32xf32, #tpu.memory_space<hbm>>
    %dma_wait3A_351 = arith.constant 0 : i32
    %dma_wait3A_352 = arith.constant 0 : i32
    %dma_wait3A_353 = tpu.memref_slice %arg4[%dma_wait3A_351, %dma_wait3A_352] : memref<3276800x32xf32, #tpu.memory_space<hbm>> -> memref<800x32xf32, #tpu.memory_space<hbm>>
    %dma_wait3A_354 = arith.constant 0 : i32
    %dma_wait3A_355 = arith.constant 0 : i32
    %dma_wait3A_356 = tpu.memref_slice %arg6[%dma_wait3A_343, %dma_wait3A_354, %dma_wait3A_355] : memref<4x800x32xf32, #tpu.memory_space<vmem>> -> memref<1x800x32xf32, #tpu.memory_space<vmem>>
    %dma_wait3A_357 = tpu.memref_squeeze %dma_wait3A_356 : memref<1x800x32xf32, #tpu.memory_space<vmem>> -> memref<800x32xf32, #tpu.memory_space<vmem>>
    tpu.wait_dma2 semaphore(%arg16 : memref<!tpu.dma_semaphore, #tpu.memory_space<semaphore_mem>>) src(%dma_wait3A_357 : memref<800x32xf32, #tpu.memory_space<vmem>>) dst(%dma_wait3A_353 : memref<800x32xf32, #tpu.memory_space<hbm>>)
    %dma_start3A_358 = arith.constant 1 : i32
    %dma_start3A_359 = arith.constant 1 : i32
    %dma_start3A_360 = arith.constant 0 : i32
    %dma_start3A_361 = arith.constant 0 : i32
    %dma_start3A_362 = tpu.memref_slice %arg6[%dma_start3A_359, %dma_start3A_360, %dma_start3A_361] : memref<4x800x32xf32, #tpu.memory_space<vmem>> -> memref<1x800x32xf32, #tpu.memory_space<vmem>>
    %dma_start3A_363 = tpu.memref_squeeze %dma_start3A_362 : memref<1x800x32xf32, #tpu.memory_space<vmem>> -> memref<800x32xf32, #tpu.memory_space<vmem>>
    %dma_start3A_364 = arith.constant 0 : i32
    %dma_start3A_365 = tpu.memref_slice %arg5[%dma_start3A_358, %dma_start3A_364] : memref<4x800xi32, #tpu.memory_space<vmem>> -> memref<1x800xi32, #tpu.memory_space<vmem>>
    %dma_start3A_366 = tpu.memref_squeeze %dma_start3A_365 : memref<1x800xi32, #tpu.memory_space<vmem>> -> memref<800xi32, #tpu.memory_space<vmem>>
    %dma_start3A_367 = arith.constant 0 : i32
    %dma_start3A_368 = arith.constant 0 : i32
    %dma_start3A_369 = tpu.memref_slice %arg3[%dma_start3A_367, %dma_start3A_368] : memref<1000000x32xf32, #tpu.memory_space<hbm>> -> memref<1000000x32xf32, #tpu.memory_space<hbm>>
    tpu.enqueue_indirect_dma source(%dma_start3A_369 : memref<1000000x32xf32, #tpu.memory_space<hbm>>) target(%dma_start3A_363 : memref<800x32xf32, #tpu.memory_space<vmem>>) offsets(%dma_start3A_366 : memref<800xi32, #tpu.memory_space<vmem>>) semaphore(%arg12 : memref<!tpu.dma_semaphore, #tpu.memory_space<semaphore_mem>>)
    %dma_wait3A_370 = arith.constant 0 : i32
    %dma_wait3A_371 = arith.constant 0 : i32
    %dma_wait3A_372 = arith.constant 0 : i32
    %dma_wait3A_373 = arith.constant 0 : i32
    %dma_wait3A_374 = tpu.memref_slice %arg6[%dma_wait3A_371, %dma_wait3A_372, %dma_wait3A_373] : memref<4x800x32xf32, #tpu.memory_space<vmem>> -> memref<1x800x32xf32, #tpu.memory_space<vmem>>
    %dma_wait3A_375 = tpu.memref_squeeze %dma_wait3A_374 : memref<1x800x32xf32, #tpu.memory_space<vmem>> -> memref<800x32xf32, #tpu.memory_space<vmem>>
    %dma_wait3A_376 = arith.constant 0 : i32
    %dma_wait3A_377 = tpu.memref_slice %arg5[%dma_wait3A_370, %dma_wait3A_376] : memref<4x800xi32, #tpu.memory_space<vmem>> -> memref<1x800xi32, #tpu.memory_space<vmem>>
    %dma_wait3A_378 = tpu.memref_squeeze %dma_wait3A_377 : memref<1x800xi32, #tpu.memory_space<vmem>> -> memref<800xi32, #tpu.memory_space<vmem>>
    %dma_wait3A_379 = arith.constant 0 : i32
    %dma_wait3A_380 = arith.constant 0 : i32
    %dma_wait3A_381 = tpu.memref_slice %arg3[%dma_wait3A_379, %dma_wait3A_380] : memref<1000000x32xf32, #tpu.memory_space<hbm>> -> memref<1000000x32xf32, #tpu.memory_space<hbm>>
    tpu.wait_indirect_dma semaphore(%arg11 : memref<!tpu.dma_semaphore, #tpu.memory_space<semaphore_mem>>) src(%dma_wait3A_381 : memref<1000000x32xf32, #tpu.memory_space<hbm>>) dst(%dma_wait3A_375 : memref<800x32xf32, #tpu.memory_space<vmem>>)
    %add3A_382 = arith.constant 99200 : i32
    %add3A_383 = arith.addi %mul3A_2, %add3A_382 : i32
    %dma_start3A_384 = arith.constant 0 : i32
    %dma_start3A_385 = arith.constant 0 : i32
    %dma_start3A_386 = arith.constant 0 : i32
    %dma_start3A_387 = tpu.memref_slice %arg6[%dma_start3A_384, %dma_start3A_385, %dma_start3A_386] : memref<4x800x32xf32, #tpu.memory_space<vmem>> -> memref<1x800x32xf32, #tpu.memory_space<vmem>>
    %dma_start3A_388 = tpu.memref_squeeze %dma_start3A_387 : memref<1x800x32xf32, #tpu.memory_space<vmem>> -> memref<800x32xf32, #tpu.memory_space<vmem>>
    %dma_start3A_389 = arith.constant 0 : i32
    %dma_start3A_390 = tpu.memref_slice %arg4[%add3A_383, %dma_start3A_389] : memref<3276800x32xf32, #tpu.memory_space<hbm>> -> memref<800x32xf32, #tpu.memory_space<hbm>>
    %dma_start3A_391 = arith.constant 0 : i32
    %dma_start3A_392 = tpu.memref_slice %arg4[%add3A_383, %dma_start3A_391] : memref<3276800x32xf32, #tpu.memory_space<hbm>> -> memref<800x32xf32, #tpu.memory_space<hbm>>
    %dma_start3A_393 = arith.constant 0 : i32
    %dma_start3A_394 = arith.constant 0 : i32
    %dma_start3A_395 = tpu.memref_slice %arg6[%dma_start3A_384, %dma_start3A_393, %dma_start3A_394] : memref<4x800x32xf32, #tpu.memory_space<vmem>> -> memref<1x800x32xf32, #tpu.memory_space<vmem>>
    %dma_start3A_396 = tpu.memref_squeeze %dma_start3A_395 : memref<1x800x32xf32, #tpu.memory_space<vmem>> -> memref<800x32xf32, #tpu.memory_space<vmem>>
    tpu.enqueue_dma source(%dma_start3A_396 : memref<800x32xf32, #tpu.memory_space<vmem>>) target(%dma_start3A_392 : memref<800x32xf32, #tpu.memory_space<hbm>>) target_semaphore(%arg15 : memref<!tpu.dma_semaphore, #tpu.memory_space<semaphore_mem>>)
    %dma_wait3A_397 = arith.constant 2 : i32
    %dma_wait3A_398 = arith.constant 0 : i32
    %dma_wait3A_399 = tpu.memref_slice %arg5[%dma_wait3A_397, %dma_wait3A_398] : memref<4x800xi32, #tpu.memory_space<vmem>> -> memref<1x800xi32, #tpu.memory_space<vmem>>
    %dma_wait3A_400 = tpu.memref_squeeze %dma_wait3A_399 : memref<1x800xi32, #tpu.memory_space<vmem>> -> memref<800xi32, #tpu.memory_space<vmem>>
    %dma_wait3A_401 = arith.constant 0 : i32
    %dma_wait3A_402 = tpu.memref_slice %arg2[%dma_wait3A_401] : memref<3276800xi32, #tpu.memory_space<hbm>> -> memref<800xi32, #tpu.memory_space<hbm>>
    %dma_wait3A_403 = arith.constant 0 : i32
    %dma_wait3A_404 = tpu.memref_slice %arg5[%dma_wait3A_397, %dma_wait3A_403] : memref<4x800xi32, #tpu.memory_space<vmem>> -> memref<1x800xi32, #tpu.memory_space<vmem>>
    %dma_wait3A_405 = tpu.memref_squeeze %dma_wait3A_404 : memref<1x800xi32, #tpu.memory_space<vmem>> -> memref<800xi32, #tpu.memory_space<vmem>>
    %dma_wait3A_406 = arith.constant 0 : i32
    %dma_wait3A_407 = tpu.memref_slice %arg2[%dma_wait3A_406] : memref<3276800xi32, #tpu.memory_space<hbm>> -> memref<800xi32, #tpu.memory_space<hbm>>
    tpu.wait_dma2 semaphore(%arg9 : memref<!tpu.dma_semaphore, #tpu.memory_space<semaphore_mem>>) src(%dma_wait3A_407 : memref<800xi32, #tpu.memory_space<hbm>>) dst(%dma_wait3A_405 : memref<800xi32, #tpu.memory_space<vmem>>)
    %dma_wait3A_408 = arith.constant 2 : i32
    %dma_wait3A_409 = arith.constant 0 : i32
    %dma_wait3A_410 = arith.constant 0 : i32
    %dma_wait3A_411 = tpu.memref_slice %arg6[%dma_wait3A_408, %dma_wait3A_409, %dma_wait3A_410] : memref<4x800x32xf32, #tpu.memory_space<vmem>> -> memref<1x800x32xf32, #tpu.memory_space<vmem>>
    %dma_wait3A_412 = tpu.memref_squeeze %dma_wait3A_411 : memref<1x800x32xf32, #tpu.memory_space<vmem>> -> memref<800x32xf32, #tpu.memory_space<vmem>>
    %dma_wait3A_413 = arith.constant 0 : i32
    %dma_wait3A_414 = arith.constant 0 : i32
    %dma_wait3A_415 = tpu.memref_slice %arg4[%dma_wait3A_413, %dma_wait3A_414] : memref<3276800x32xf32, #tpu.memory_space<hbm>> -> memref<800x32xf32, #tpu.memory_space<hbm>>
    %dma_wait3A_416 = arith.constant 0 : i32
    %dma_wait3A_417 = arith.constant 0 : i32
    %dma_wait3A_418 = tpu.memref_slice %arg4[%dma_wait3A_416, %dma_wait3A_417] : memref<3276800x32xf32, #tpu.memory_space<hbm>> -> memref<800x32xf32, #tpu.memory_space<hbm>>
    %dma_wait3A_419 = arith.constant 0 : i32
    %dma_wait3A_420 = arith.constant 0 : i32
    %dma_wait3A_421 = tpu.memref_slice %arg6[%dma_wait3A_408, %dma_wait3A_419, %dma_wait3A_420] : memref<4x800x32xf32, #tpu.memory_space<vmem>> -> memref<1x800x32xf32, #tpu.memory_space<vmem>>
    %dma_wait3A_422 = tpu.memref_squeeze %dma_wait3A_421 : memref<1x800x32xf32, #tpu.memory_space<vmem>> -> memref<800x32xf32, #tpu.memory_space<vmem>>
    tpu.wait_dma2 semaphore(%arg17 : memref<!tpu.dma_semaphore, #tpu.memory_space<semaphore_mem>>) src(%dma_wait3A_422 : memref<800x32xf32, #tpu.memory_space<vmem>>) dst(%dma_wait3A_418 : memref<800x32xf32, #tpu.memory_space<hbm>>)
    %dma_start3A_423 = arith.constant 2 : i32
    %dma_start3A_424 = arith.constant 2 : i32
    %dma_start3A_425 = arith.constant 0 : i32
    %dma_start3A_426 = arith.constant 0 : i32
    %dma_start3A_427 = tpu.memref_slice %arg6[%dma_start3A_424, %dma_start3A_425, %dma_start3A_426] : memref<4x800x32xf32, #tpu.memory_space<vmem>> -> memref<1x800x32xf32, #tpu.memory_space<vmem>>
    %dma_start3A_428 = tpu.memref_squeeze %dma_start3A_427 : memref<1x800x32xf32, #tpu.memory_space<vmem>> -> memref<800x32xf32, #tpu.memory_space<vmem>>
    %dma_start3A_429 = arith.constant 0 : i32
    %dma_start3A_430 = tpu.memref_slice %arg5[%dma_start3A_423, %dma_start3A_429] : memref<4x800xi32, #tpu.memory_space<vmem>> -> memref<1x800xi32, #tpu.memory_space<vmem>>
    %dma_start3A_431 = tpu.memref_squeeze %dma_start3A_430 : memref<1x800xi32, #tpu.memory_space<vmem>> -> memref<800xi32, #tpu.memory_space<vmem>>
    %dma_start3A_432 = arith.constant 0 : i32
    %dma_start3A_433 = arith.constant 0 : i32
    %dma_start3A_434 = tpu.memref_slice %arg3[%dma_start3A_432, %dma_start3A_433] : memref<1000000x32xf32, #tpu.memory_space<hbm>> -> memref<1000000x32xf32, #tpu.memory_space<hbm>>
    tpu.enqueue_indirect_dma source(%dma_start3A_434 : memref<1000000x32xf32, #tpu.memory_space<hbm>>) target(%dma_start3A_428 : memref<800x32xf32, #tpu.memory_space<vmem>>) offsets(%dma_start3A_431 : memref<800xi32, #tpu.memory_space<vmem>>) semaphore(%arg13 : memref<!tpu.dma_semaphore, #tpu.memory_space<semaphore_mem>>)
    %dma_wait3A_435 = arith.constant 1 : i32
    %dma_wait3A_436 = arith.constant 1 : i32
    %dma_wait3A_437 = arith.constant 0 : i32
    %dma_wait3A_438 = arith.constant 0 : i32
    %dma_wait3A_439 = tpu.memref_slice %arg6[%dma_wait3A_436, %dma_wait3A_437, %dma_wait3A_438] : memref<4x800x32xf32, #tpu.memory_space<vmem>> -> memref<1x800x32xf32, #tpu.memory_space<vmem>>
    %dma_wait3A_440 = tpu.memref_squeeze %dma_wait3A_439 : memref<1x800x32xf32, #tpu.memory_space<vmem>> -> memref<800x32xf32, #tpu.memory_space<vmem>>
    %dma_wait3A_441 = arith.constant 0 : i32
    %dma_wait3A_442 = tpu.memref_slice %arg5[%dma_wait3A_435, %dma_wait3A_441] : memref<4x800xi32, #tpu.memory_space<vmem>> -> memref<1x800xi32, #tpu.memory_space<vmem>>
    %dma_wait3A_443 = tpu.memref_squeeze %dma_wait3A_442 : memref<1x800xi32, #tpu.memory_space<vmem>> -> memref<800xi32, #tpu.memory_space<vmem>>
    %dma_wait3A_444 = arith.constant 0 : i32
    %dma_wait3A_445 = arith.constant 0 : i32
    %dma_wait3A_446 = tpu.memref_slice %arg3[%dma_wait3A_444, %dma_wait3A_445] : memref<1000000x32xf32, #tpu.memory_space<hbm>> -> memref<1000000x32xf32, #tpu.memory_space<hbm>>
    tpu.wait_indirect_dma semaphore(%arg12 : memref<!tpu.dma_semaphore, #tpu.memory_space<semaphore_mem>>) src(%dma_wait3A_446 : memref<1000000x32xf32, #tpu.memory_space<hbm>>) dst(%dma_wait3A_440 : memref<800x32xf32, #tpu.memory_space<vmem>>)
    %add3A_447 = arith.constant 100000 : i32
    %add3A_448 = arith.addi %mul3A_2, %add3A_447 : i32
    %dma_start3A_449 = arith.constant 1 : i32
    %dma_start3A_450 = arith.constant 0 : i32
    %dma_start3A_451 = arith.constant 0 : i32
    %dma_start3A_452 = tpu.memref_slice %arg6[%dma_start3A_449, %dma_start3A_450, %dma_start3A_451] : memref<4x800x32xf32, #tpu.memory_space<vmem>> -> memref<1x800x32xf32, #tpu.memory_space<vmem>>
    %dma_start3A_453 = tpu.memref_squeeze %dma_start3A_452 : memref<1x800x32xf32, #tpu.memory_space<vmem>> -> memref<800x32xf32, #tpu.memory_space<vmem>>
    %dma_start3A_454 = arith.constant 0 : i32
    %dma_start3A_455 = tpu.memref_slice %arg4[%add3A_448, %dma_start3A_454] : memref<3276800x32xf32, #tpu.memory_space<hbm>> -> memref<800x32xf32, #tpu.memory_space<hbm>>
    %dma_start3A_456 = arith.constant 0 : i32
    %dma_start3A_457 = tpu.memref_slice %arg4[%add3A_448, %dma_start3A_456] : memref<3276800x32xf32, #tpu.memory_space<hbm>> -> memref<800x32xf32, #tpu.memory_space<hbm>>
    %dma_start3A_458 = arith.constant 0 : i32
    %dma_start3A_459 = arith.constant 0 : i32
    %dma_start3A_460 = tpu.memref_slice %arg6[%dma_start3A_449, %dma_start3A_458, %dma_start3A_459] : memref<4x800x32xf32, #tpu.memory_space<vmem>> -> memref<1x800x32xf32, #tpu.memory_space<vmem>>
    %dma_start3A_461 = tpu.memref_squeeze %dma_start3A_460 : memref<1x800x32xf32, #tpu.memory_space<vmem>> -> memref<800x32xf32, #tpu.memory_space<vmem>>
    tpu.enqueue_dma source(%dma_start3A_461 : memref<800x32xf32, #tpu.memory_space<vmem>>) target(%dma_start3A_457 : memref<800x32xf32, #tpu.memory_space<hbm>>) target_semaphore(%arg16 : memref<!tpu.dma_semaphore, #tpu.memory_space<semaphore_mem>>)
    %dma_wait3A_462 = arith.constant 3 : i32
    %dma_wait3A_463 = arith.constant 0 : i32
    %dma_wait3A_464 = tpu.memref_slice %arg5[%dma_wait3A_462, %dma_wait3A_463] : memref<4x800xi32, #tpu.memory_space<vmem>> -> memref<1x800xi32, #tpu.memory_space<vmem>>
    %dma_wait3A_465 = tpu.memref_squeeze %dma_wait3A_464 : memref<1x800xi32, #tpu.memory_space<vmem>> -> memref<800xi32, #tpu.memory_space<vmem>>
    %dma_wait3A_466 = arith.constant 0 : i32
    %dma_wait3A_467 = tpu.memref_slice %arg2[%dma_wait3A_466] : memref<3276800xi32, #tpu.memory_space<hbm>> -> memref<800xi32, #tpu.memory_space<hbm>>
    %dma_wait3A_468 = arith.constant 0 : i32
    %dma_wait3A_469 = tpu.memref_slice %arg5[%dma_wait3A_462, %dma_wait3A_468] : memref<4x800xi32, #tpu.memory_space<vmem>> -> memref<1x800xi32, #tpu.memory_space<vmem>>
    %dma_wait3A_470 = tpu.memref_squeeze %dma_wait3A_469 : memref<1x800xi32, #tpu.memory_space<vmem>> -> memref<800xi32, #tpu.memory_space<vmem>>
    %dma_wait3A_471 = arith.constant 0 : i32
    %dma_wait3A_472 = tpu.memref_slice %arg2[%dma_wait3A_471] : memref<3276800xi32, #tpu.memory_space<hbm>> -> memref<800xi32, #tpu.memory_space<hbm>>
    tpu.wait_dma2 semaphore(%arg10 : memref<!tpu.dma_semaphore, #tpu.memory_space<semaphore_mem>>) src(%dma_wait3A_472 : memref<800xi32, #tpu.memory_space<hbm>>) dst(%dma_wait3A_470 : memref<800xi32, #tpu.memory_space<vmem>>)
    %dma_wait3A_473 = arith.constant 3 : i32
    %dma_wait3A_474 = arith.constant 0 : i32
    %dma_wait3A_475 = arith.constant 0 : i32
    %dma_wait3A_476 = tpu.memref_slice %arg6[%dma_wait3A_473, %dma_wait3A_474, %dma_wait3A_475] : memref<4x800x32xf32, #tpu.memory_space<vmem>> -> memref<1x800x32xf32, #tpu.memory_space<vmem>>
    %dma_wait3A_477 = tpu.memref_squeeze %dma_wait3A_476 : memref<1x800x32xf32, #tpu.memory_space<vmem>> -> memref<800x32xf32, #tpu.memory_space<vmem>>
    %dma_wait3A_478 = arith.constant 0 : i32
    %dma_wait3A_479 = arith.constant 0 : i32
    %dma_wait3A_480 = tpu.memref_slice %arg4[%dma_wait3A_478, %dma_wait3A_479] : memref<3276800x32xf32, #tpu.memory_space<hbm>> -> memref<800x32xf32, #tpu.memory_space<hbm>>
    %dma_wait3A_481 = arith.constant 0 : i32
    %dma_wait3A_482 = arith.constant 0 : i32
    %dma_wait3A_483 = tpu.memref_slice %arg4[%dma_wait3A_481, %dma_wait3A_482] : memref<3276800x32xf32, #tpu.memory_space<hbm>> -> memref<800x32xf32, #tpu.memory_space<hbm>>
    %dma_wait3A_484 = arith.constant 0 : i32
    %dma_wait3A_485 = arith.constant 0 : i32
    %dma_wait3A_486 = tpu.memref_slice %arg6[%dma_wait3A_473, %dma_wait3A_484, %dma_wait3A_485] : memref<4x800x32xf32, #tpu.memory_space<vmem>> -> memref<1x800x32xf32, #tpu.memory_space<vmem>>
    %dma_wait3A_487 = tpu.memref_squeeze %dma_wait3A_486 : memref<1x800x32xf32, #tpu.memory_space<vmem>> -> memref<800x32xf32, #tpu.memory_space<vmem>>
    tpu.wait_dma2 semaphore(%arg18 : memref<!tpu.dma_semaphore, #tpu.memory_space<semaphore_mem>>) src(%dma_wait3A_487 : memref<800x32xf32, #tpu.memory_space<vmem>>) dst(%dma_wait3A_483 : memref<800x32xf32, #tpu.memory_space<hbm>>)
    %dma_start3A_488 = arith.constant 3 : i32
    %dma_start3A_489 = arith.constant 3 : i32
    %dma_start3A_490 = arith.constant 0 : i32
    %dma_start3A_491 = arith.constant 0 : i32
    %dma_start3A_492 = tpu.memref_slice %arg6[%dma_start3A_489, %dma_start3A_490, %dma_start3A_491] : memref<4x800x32xf32, #tpu.memory_space<vmem>> -> memref<1x800x32xf32, #tpu.memory_space<vmem>>
    %dma_start3A_493 = tpu.memref_squeeze %dma_start3A_492 : memref<1x800x32xf32, #tpu.memory_space<vmem>> -> memref<800x32xf32, #tpu.memory_space<vmem>>
    %dma_start3A_494 = arith.constant 0 : i32
    %dma_start3A_495 = tpu.memref_slice %arg5[%dma_start3A_488, %dma_start3A_494] : memref<4x800xi32, #tpu.memory_space<vmem>> -> memref<1x800xi32, #tpu.memory_space<vmem>>
    %dma_start3A_496 = tpu.memref_squeeze %dma_start3A_495 : memref<1x800xi32, #tpu.memory_space<vmem>> -> memref<800xi32, #tpu.memory_space<vmem>>
    %dma_start3A_497 = arith.constant 0 : i32
    %dma_start3A_498 = arith.constant 0 : i32
    %dma_start3A_499 = tpu.memref_slice %arg3[%dma_start3A_497, %dma_start3A_498] : memref<1000000x32xf32, #tpu.memory_space<hbm>> -> memref<1000000x32xf32, #tpu.memory_space<hbm>>
    tpu.enqueue_indirect_dma source(%dma_start3A_499 : memref<1000000x32xf32, #tpu.memory_space<hbm>>) target(%dma_start3A_493 : memref<800x32xf32, #tpu.memory_space<vmem>>) offsets(%dma_start3A_496 : memref<800xi32, #tpu.memory_space<vmem>>) semaphore(%arg14 : memref<!tpu.dma_semaphore, #tpu.memory_space<semaphore_mem>>)
    %dma_wait3A_500 = arith.constant 2 : i32
    %dma_wait3A_501 = arith.constant 2 : i32
    %dma_wait3A_502 = arith.constant 0 : i32
    %dma_wait3A_503 = arith.constant 0 : i32
    %dma_wait3A_504 = tpu.memref_slice %arg6[%dma_wait3A_501, %dma_wait3A_502, %dma_wait3A_503] : memref<4x800x32xf32, #tpu.memory_space<vmem>> -> memref<1x800x32xf32, #tpu.memory_space<vmem>>
    %dma_wait3A_505 = tpu.memref_squeeze %dma_wait3A_504 : memref<1x800x32xf32, #tpu.memory_space<vmem>> -> memref<800x32xf32, #tpu.memory_space<vmem>>
    %dma_wait3A_506 = arith.constant 0 : i32
    %dma_wait3A_507 = tpu.memref_slice %arg5[%dma_wait3A_500, %dma_wait3A_506] : memref<4x800xi32, #tpu.memory_space<vmem>> -> memref<1x800xi32, #tpu.memory_space<vmem>>
    %dma_wait3A_508 = tpu.memref_squeeze %dma_wait3A_507 : memref<1x800xi32, #tpu.memory_space<vmem>> -> memref<800xi32, #tpu.memory_space<vmem>>
    %dma_wait3A_509 = arith.constant 0 : i32
    %dma_wait3A_510 = arith.constant 0 : i32
    %dma_wait3A_511 = tpu.memref_slice %arg3[%dma_wait3A_509, %dma_wait3A_510] : memref<1000000x32xf32, #tpu.memory_space<hbm>> -> memref<1000000x32xf32, #tpu.memory_space<hbm>>
    tpu.wait_indirect_dma semaphore(%arg13 : memref<!tpu.dma_semaphore, #tpu.memory_space<semaphore_mem>>) src(%dma_wait3A_511 : memref<1000000x32xf32, #tpu.memory_space<hbm>>) dst(%dma_wait3A_505 : memref<800x32xf32, #tpu.memory_space<vmem>>)
    %add3A_512 = arith.constant 100800 : i32
    %add3A_513 = arith.addi %mul3A_2, %add3A_512 : i32
    %dma_start3A_514 = arith.constant 2 : i32
    %dma_start3A_515 = arith.constant 0 : i32
    %dma_start3A_516 = arith.constant 0 : i32
    %dma_start3A_517 = tpu.memref_slice %arg6[%dma_start3A_514, %dma_start3A_515, %dma_start3A_516] : memref<4x800x32xf32, #tpu.memory_space<vmem>> -> memref<1x800x32xf32, #tpu.memory_space<vmem>>
    %dma_start3A_518 = tpu.memref_squeeze %dma_start3A_517 : memref<1x800x32xf32, #tpu.memory_space<vmem>> -> memref<800x32xf32, #tpu.memory_space<vmem>>
    %dma_start3A_519 = arith.constant 0 : i32
    %dma_start3A_520 = tpu.memref_slice %arg4[%add3A_513, %dma_start3A_519] : memref<3276800x32xf32, #tpu.memory_space<hbm>> -> memref<800x32xf32, #tpu.memory_space<hbm>>
    %dma_start3A_521 = arith.constant 0 : i32
    %dma_start3A_522 = tpu.memref_slice %arg4[%add3A_513, %dma_start3A_521] : memref<3276800x32xf32, #tpu.memory_space<hbm>> -> memref<800x32xf32, #tpu.memory_space<hbm>>
    %dma_start3A_523 = arith.constant 0 : i32
    %dma_start3A_524 = arith.constant 0 : i32
    %dma_start3A_525 = tpu.memref_slice %arg6[%dma_start3A_514, %dma_start3A_523, %dma_start3A_524] : memref<4x800x32xf32, #tpu.memory_space<vmem>> -> memref<1x800x32xf32, #tpu.memory_space<vmem>>
    %dma_start3A_526 = tpu.memref_squeeze %dma_start3A_525 : memref<1x800x32xf32, #tpu.memory_space<vmem>> -> memref<800x32xf32, #tpu.memory_space<vmem>>
    tpu.enqueue_dma source(%dma_start3A_526 : memref<800x32xf32, #tpu.memory_space<vmem>>) target(%dma_start3A_522 : memref<800x32xf32, #tpu.memory_space<hbm>>) target_semaphore(%arg17 : memref<!tpu.dma_semaphore, #tpu.memory_space<semaphore_mem>>)
    %dma_wait3A_527 = arith.constant 3 : i32
    %dma_wait3A_528 = arith.constant 3 : i32
    %dma_wait3A_529 = arith.constant 0 : i32
    %dma_wait3A_530 = arith.constant 0 : i32
    %dma_wait3A_531 = tpu.memref_slice %arg6[%dma_wait3A_528, %dma_wait3A_529, %dma_wait3A_530] : memref<4x800x32xf32, #tpu.memory_space<vmem>> -> memref<1x800x32xf32, #tpu.memory_space<vmem>>
    %dma_wait3A_532 = tpu.memref_squeeze %dma_wait3A_531 : memref<1x800x32xf32, #tpu.memory_space<vmem>> -> memref<800x32xf32, #tpu.memory_space<vmem>>
    %dma_wait3A_533 = arith.constant 0 : i32
    %dma_wait3A_534 = tpu.memref_slice %arg5[%dma_wait3A_527, %dma_wait3A_533] : memref<4x800xi32, #tpu.memory_space<vmem>> -> memref<1x800xi32, #tpu.memory_space<vmem>>
    %dma_wait3A_535 = tpu.memref_squeeze %dma_wait3A_534 : memref<1x800xi32, #tpu.memory_space<vmem>> -> memref<800xi32, #tpu.memory_space<vmem>>
    %dma_wait3A_536 = arith.constant 0 : i32
    %dma_wait3A_537 = arith.constant 0 : i32
    %dma_wait3A_538 = tpu.memref_slice %arg3[%dma_wait3A_536, %dma_wait3A_537] : memref<1000000x32xf32, #tpu.memory_space<hbm>> -> memref<1000000x32xf32, #tpu.memory_space<hbm>>
    tpu.wait_indirect_dma semaphore(%arg14 : memref<!tpu.dma_semaphore, #tpu.memory_space<semaphore_mem>>) src(%dma_wait3A_538 : memref<1000000x32xf32, #tpu.memory_space<hbm>>) dst(%dma_wait3A_532 : memref<800x32xf32, #tpu.memory_space<vmem>>)
    %add3A_539 = arith.constant 101600 : i32
    %add3A_540 = arith.addi %mul3A_2, %add3A_539 : i32
    %dma_start3A_541 = arith.constant 3 : i32
    %dma_start3A_542 = arith.constant 0 : i32
    %dma_start3A_543 = arith.constant 0 : i32
    %dma_start3A_544 = tpu.memref_slice %arg6[%dma_start3A_541, %dma_start3A_542, %dma_start3A_543] : memref<4x800x32xf32, #tpu.memory_space<vmem>> -> memref<1x800x32xf32, #tpu.memory_space<vmem>>
    %dma_start3A_545 = tpu.memref_squeeze %dma_start3A_544 : memref<1x800x32xf32, #tpu.memory_space<vmem>> -> memref<800x32xf32, #tpu.memory_space<vmem>>
    %dma_start3A_546 = arith.constant 0 : i32
    %dma_start3A_547 = tpu.memref_slice %arg4[%add3A_540, %dma_start3A_546] : memref<3276800x32xf32, #tpu.memory_space<hbm>> -> memref<800x32xf32, #tpu.memory_space<hbm>>
    %dma_start3A_548 = arith.constant 0 : i32
    %dma_start3A_549 = tpu.memref_slice %arg4[%add3A_540, %dma_start3A_548] : memref<3276800x32xf32, #tpu.memory_space<hbm>> -> memref<800x32xf32, #tpu.memory_space<hbm>>
    %dma_start3A_550 = arith.constant 0 : i32
    %dma_start3A_551 = arith.constant 0 : i32
    %dma_start3A_552 = tpu.memref_slice %arg6[%dma_start3A_541, %dma_start3A_550, %dma_start3A_551] : memref<4x800x32xf32, #tpu.memory_space<vmem>> -> memref<1x800x32xf32, #tpu.memory_space<vmem>>
    %dma_start3A_553 = tpu.memref_squeeze %dma_start3A_552 : memref<1x800x32xf32, #tpu.memory_space<vmem>> -> memref<800x32xf32, #tpu.memory_space<vmem>>
    tpu.enqueue_dma source(%dma_start3A_553 : memref<800x32xf32, #tpu.memory_space<vmem>>) target(%dma_start3A_549 : memref<800x32xf32, #tpu.memory_space<hbm>>) target_semaphore(%arg18 : memref<!tpu.dma_semaphore, #tpu.memory_space<semaphore_mem>>)
    %dma_wait3A_554 = arith.constant 0 : i32
    %dma_wait3A_555 = arith.constant 0 : i32
    %dma_wait3A_556 = arith.constant 0 : i32
    %dma_wait3A_557 = tpu.memref_slice %arg6[%dma_wait3A_554, %dma_wait3A_555, %dma_wait3A_556] : memref<4x800x32xf32, #tpu.memory_space<vmem>> -> memref<1x800x32xf32, #tpu.memory_space<vmem>>
    %dma_wait3A_558 = tpu.memref_squeeze %dma_wait3A_557 : memref<1x800x32xf32, #tpu.memory_space<vmem>> -> memref<800x32xf32, #tpu.memory_space<vmem>>
    %dma_wait3A_559 = arith.constant 0 : i32
    %dma_wait3A_560 = arith.constant 0 : i32
    %dma_wait3A_561 = tpu.memref_slice %arg4[%dma_wait3A_559, %dma_wait3A_560] : memref<3276800x32xf32, #tpu.memory_space<hbm>> -> memref<800x32xf32, #tpu.memory_space<hbm>>
    %dma_wait3A_562 = arith.constant 0 : i32
    %dma_wait3A_563 = arith.constant 0 : i32
    %dma_wait3A_564 = tpu.memref_slice %arg4[%dma_wait3A_562, %dma_wait3A_563] : memref<3276800x32xf32, #tpu.memory_space<hbm>> -> memref<800x32xf32, #tpu.memory_space<hbm>>
    %dma_wait3A_565 = arith.constant 0 : i32
    %dma_wait3A_566 = arith.constant 0 : i32
    %dma_wait3A_567 = tpu.memref_slice %arg6[%dma_wait3A_554, %dma_wait3A_565, %dma_wait3A_566] : memref<4x800x32xf32, #tpu.memory_space<vmem>> -> memref<1x800x32xf32, #tpu.memory_space<vmem>>
    %dma_wait3A_568 = tpu.memref_squeeze %dma_wait3A_567 : memref<1x800x32xf32, #tpu.memory_space<vmem>> -> memref<800x32xf32, #tpu.memory_space<vmem>>
    tpu.wait_dma2 semaphore(%arg15 : memref<!tpu.dma_semaphore, #tpu.memory_space<semaphore_mem>>) src(%dma_wait3A_568 : memref<800x32xf32, #tpu.memory_space<vmem>>) dst(%dma_wait3A_564 : memref<800x32xf32, #tpu.memory_space<hbm>>)
    %dma_wait3A_569 = arith.constant 1 : i32
    %dma_wait3A_570 = arith.constant 0 : i32
    %dma_wait3A_571 = arith.constant 0 : i32
    %dma_wait3A_572 = tpu.memref_slice %arg6[%dma_wait3A_569, %dma_wait3A_570, %dma_wait3A_571] : memref<4x800x32xf32, #tpu.memory_space<vmem>> -> memref<1x800x32xf32, #tpu.memory_space<vmem>>
    %dma_wait3A_573 = tpu.memref_squeeze %dma_wait3A_572 : memref<1x800x32xf32, #tpu.memory_space<vmem>> -> memref<800x32xf32, #tpu.memory_space<vmem>>
    %dma_wait3A_574 = arith.constant 0 : i32
    %dma_wait3A_575 = arith.constant 0 : i32
    %dma_wait3A_576 = tpu.memref_slice %arg4[%dma_wait3A_574, %dma_wait3A_575] : memref<3276800x32xf32, #tpu.memory_space<hbm>> -> memref<800x32xf32, #tpu.memory_space<hbm>>
    %dma_wait3A_577 = arith.constant 0 : i32
    %dma_wait3A_578 = arith.constant 0 : i32
    %dma_wait3A_579 = tpu.memref_slice %arg4[%dma_wait3A_577, %dma_wait3A_578] : memref<3276800x32xf32, #tpu.memory_space<hbm>> -> memref<800x32xf32, #tpu.memory_space<hbm>>
    %dma_wait3A_580 = arith.constant 0 : i32
    %dma_wait3A_581 = arith.constant 0 : i32
    %dma_wait3A_582 = tpu.memref_slice %arg6[%dma_wait3A_569, %dma_wait3A_580, %dma_wait3A_581] : memref<4x800x32xf32, #tpu.memory_space<vmem>> -> memref<1x800x32xf32, #tpu.memory_space<vmem>>
    %dma_wait3A_583 = tpu.memref_squeeze %dma_wait3A_582 : memref<1x800x32xf32, #tpu.memory_space<vmem>> -> memref<800x32xf32, #tpu.memory_space<vmem>>
    tpu.wait_dma2 semaphore(%arg16 : memref<!tpu.dma_semaphore, #tpu.memory_space<semaphore_mem>>) src(%dma_wait3A_583 : memref<800x32xf32, #tpu.memory_space<vmem>>) dst(%dma_wait3A_579 : memref<800x32xf32, #tpu.memory_space<hbm>>)
    %dma_wait3A_584 = arith.constant 2 : i32
    %dma_wait3A_585 = arith.constant 0 : i32
    %dma_wait3A_586 = arith.constant 0 : i32
    %dma_wait3A_587 = tpu.memref_slice %arg6[%dma_wait3A_584, %dma_wait3A_585, %dma_wait3A_586] : memref<4x800x32xf32, #tpu.memory_space<vmem>> -> memref<1x800x32xf32, #tpu.memory_space<vmem>>
    %dma_wait3A_588 = tpu.memref_squeeze %dma_wait3A_587 : memref<1x800x32xf32, #tpu.memory_space<vmem>> -> memref<800x32xf32, #tpu.memory_space<vmem>>
    %dma_wait3A_589 = arith.constant 0 : i32
    %dma_wait3A_590 = arith.constant 0 : i32
    %dma_wait3A_591 = tpu.memref_slice %arg4[%dma_wait3A_589, %dma_wait3A_590] : memref<3276800x32xf32, #tpu.memory_space<hbm>> -> memref<800x32xf32, #tpu.memory_space<hbm>>
    %dma_wait3A_592 = arith.constant 0 : i32
    %dma_wait3A_593 = arith.constant 0 : i32
    %dma_wait3A_594 = tpu.memref_slice %arg4[%dma_wait3A_592, %dma_wait3A_593] : memref<3276800x32xf32, #tpu.memory_space<hbm>> -> memref<800x32xf32, #tpu.memory_space<hbm>>
    %dma_wait3A_595 = arith.constant 0 : i32
    %dma_wait3A_596 = arith.constant 0 : i32
    %dma_wait3A_597 = tpu.memref_slice %arg6[%dma_wait3A_584, %dma_wait3A_595, %dma_wait3A_596] : memref<4x800x32xf32, #tpu.memory_space<vmem>> -> memref<1x800x32xf32, #tpu.memory_space<vmem>>
    %dma_wait3A_598 = tpu.memref_squeeze %dma_wait3A_597 : memref<1x800x32xf32, #tpu.memory_space<vmem>> -> memref<800x32xf32, #tpu.memory_space<vmem>>
    tpu.wait_dma2 semaphore(%arg17 : memref<!tpu.dma_semaphore, #tpu.memory_space<semaphore_mem>>) src(%dma_wait3A_598 : memref<800x32xf32, #tpu.memory_space<vmem>>) dst(%dma_wait3A_594 : memref<800x32xf32, #tpu.memory_space<hbm>>)
    %dma_wait3A_599 = arith.constant 3 : i32
    %dma_wait3A_600 = arith.constant 0 : i32
    %dma_wait3A_601 = arith.constant 0 : i32
    %dma_wait3A_602 = tpu.memref_slice %arg6[%dma_wait3A_599, %dma_wait3A_600, %dma_wait3A_601] : memref<4x800x32xf32, #tpu.memory_space<vmem>> -> memref<1x800x32xf32, #tpu.memory_space<vmem>>
    %dma_wait3A_603 = tpu.memref_squeeze %dma_wait3A_602 : memref<1x800x32xf32, #tpu.memory_space<vmem>> -> memref<800x32xf32, #tpu.memory_space<vmem>>
    %dma_wait3A_604 = arith.constant 0 : i32
    %dma_wait3A_605 = arith.constant 0 : i32
    %dma_wait3A_606 = tpu.memref_slice %arg4[%dma_wait3A_604, %dma_wait3A_605] : memref<3276800x32xf32, #tpu.memory_space<hbm>> -> memref<800x32xf32, #tpu.memory_space<hbm>>
    %dma_wait3A_607 = arith.constant 0 : i32
    %dma_wait3A_608 = arith.constant 0 : i32
    %dma_wait3A_609 = tpu.memref_slice %arg4[%dma_wait3A_607, %dma_wait3A_608] : memref<3276800x32xf32, #tpu.memory_space<hbm>> -> memref<800x32xf32, #tpu.memory_space<hbm>>
    %dma_wait3A_610 = arith.constant 0 : i32
    %dma_wait3A_611 = arith.constant 0 : i32
    %dma_wait3A_612 = tpu.memref_slice %arg6[%dma_wait3A_599, %dma_wait3A_610, %dma_wait3A_611] : memref<4x800x32xf32, #tpu.memory_space<vmem>> -> memref<1x800x32xf32, #tpu.memory_space<vmem>>
    %dma_wait3A_613 = tpu.memref_squeeze %dma_wait3A_612 : memref<1x800x32xf32, #tpu.memory_space<vmem>> -> memref<800x32xf32, #tpu.memory_space<vmem>>
    tpu.wait_dma2 semaphore(%arg18 : memref<!tpu.dma_semaphore, #tpu.memory_space<semaphore_mem>>) src(%dma_wait3A_613 : memref<800x32xf32, #tpu.memory_space<vmem>>) dst(%dma_wait3A_609 : memref<800x32xf32, #tpu.memory_space<hbm>>)
    return
  }
}

</mosaic_0001>

<sc_bundles>
// kernel: kernel.3.cloned.1.call-start
scs
__scs_entry_jumppad:
0x0: {  	(pc) =	sbr.rel $0x88, $3  }
0x1: {  	(tag) =	ssettag $0x0;
	lr =	simm.s32 $0x1  }
0x2: {  	[smem:$0x3F9F] =	sst lr;
	_ =	strace $0xD0000000  }
0x3: {  	_ = 	snop  }
0x4: {  	_ = 	snop  }
0x5: {  	_ = 	snop  }
0x6: {  	_ = 	snop  }
0x7: {  	_ = 	snop  }
__scs_overlays_trampoline_lowered:
0x8: {  	[smem:$0x3FAE] =	sst s0  }
0x9: {  	[smem:$0x3FAF] =	sst s1  }
0xa: {  	[smem:$0x3FB0] =	sst s2  }
0xb: {  	[smem:$0x3FB1] =	sst s3  }
0xc: {  	[smem:$0x3FB2] =	sst s4  }
0xd: {  	[smem:$0x3FB3] =	sst s5  }
0xe: {  	[smem:$0x3FB4] =	sst s6  }
0xf: {  	[smem:$0x3FB5] =	sst s7  }
0x10: {  	[smem:$0x3FB6] =	sst s8  }
0x11: {  	[smem:$0x3FB7] =	sst s9;
	s0 =	simm.s32 @!p0 $0x0  }
0x12: {  	s1 =	sld [smem:$0x3F9D];
	s0 =	simm.s32 @p0 $0x1  }
0x13: {  	[smem:$0x3FB8] =	sst s0;
	s0 =	simm.s32 @!p1 $0x0  }
0x14: {  	s2 =	sld [smem:$0x3F9C];
	s0 =	simm.s32 @p1 $0x1  }
0x15: {  	[smem:$0x3FB9] =	sst s0;
	s0 =	simm.s32 @!p2 $0x0  }
0x16: {  	s3 =	sld [smem:$0x3FDB];
	s0 =	simm.s32 @p2 $0x1  }
0x17: {  	s4 =	simm.s32 $0x1BF5;
	[smem:$0x3FBB] =	sst s0  }
0x18: {  	s0 =	sld [smem:$0x3F9E];
	_ =	swait.ge [sflag:s4], $0x0  }
0x19: {  	s7 =	sld [smem:$0x3F9F]  }
0x1a: {  	s8 =	sadd.s32 $0xFFFFE003, lr  }
0x1b: {  	s9 =	sadd.s32 $0xFFFFFEF7, lr;
	s5 =	simm.s32 $0xFFFFFFFF;
	p2 =	slt.u32 s8, $0xFFFFF086  }
0x1c: {  	p1 =	slt.u32 s9, $0xF7A;
	s5 =	simm.s32 @!p2 $0x0  }
0x1d: {  	s5 =	simm.s32 @p1 $0x1;
	p0 =	seq.s32 s7, s2  }
0x1e: {  	s7 =	smul.u32 @!p0 $0xF7A, s2;
	p2 =	seq.s32 @!p0 s5, $0x0  }
0x1f: {  	s9 =	smul.u32 $0xF7A, s1;
	s8 =	simm.s32 @!p0 $0x1BF5;
	p2 =	por !p2, p0  }
0x20: {  	[sflag:s8] =	ssyncset.s32 @!p0 $0xFFFFF086;
	s6 =	sadd.s32 @!p0 s3, s7;
	s7 =	simm.s32 @!p0 $0x108  }
0x21: {  	s3 =	sadd.s32 s3, s9;
	s6 =	sadd.s32 @!p0 $0x88, s6;
	s7 =	simm.s32 @p2 $0x1082  }
0x22: {  	[simem:s7], [sflag:s8] =	dma.local @!p0 [hbm:s6], $0xF7A  }
0x23: {  	s9 =	sor.u32 $0xD0000000, s2;
	s6 =	simm.s32 $0x108;
	_ =	swait.ge @!p0 [sflag:s8], $0x0  }
0x24: {  	s3 =	sadd.s32 $0x88, s3;
	s6 =	simm.s32 @!p1 $0x1082;
	[sflag:s4] =	ssyncset.s32 $0xFFFFF086  }
0x25: {  	[simem:s6], [sflag:s4] =	dma.local [hbm:s3], $0xF7A  }
0x26: {  	[smem:$0x3F9F] =	sst s1;
	(tag) =	ssettag s2;
	_ =	strace s9  }
0x27: {  	s1 =	sld [smem:$0x3FAF]  }
0x28: {  	s2 =	sld [smem:$0x3FB0]  }
0x29: {  	s4 =	sld [smem:$0x3FB2]  }
0x2a: {  	p0 =	seq.s32 s5, $0x0;
	s5 =	sld [smem:$0x3FB3]  }
0x2b: {  	s6 =	sld [smem:$0x3FB4]  }
0x2c: {  	s7 =	sld [smem:$0x3FB5]  }
0x2d: {  	s3 =	simm.s32 $0x108;
	s8 =	sld [smem:$0x3FB6]  }
0x2e: {  	s3 =	simm.s32 @!p0 $0x1082;
	s9 =	sld [smem:$0x3FB7]  }
0x2f: {  	lr =	sadd.s32 s0, s3;
	s0 =	sld [smem:$0x3FAE]  }
0x30: {  	s3 =	sld [smem:$0x3FB1]  }
0x31: {  	[smem:$0x3FBA] =	sst s10  }
0x32: {  	s10 =	sld [smem:$0x3FB8];
	_ =	sdelay $0x3  }
0x33: {  	p0 =	seq.s32 s10, $0x1;
	s10 =	sld [smem:$0x3FBA];
	_ =	sdelay $0x3  }
0x34: {  	[smem:$0x3FBA] =	sst s10  }
0x35: {  	s10 =	sld [smem:$0x3FB9];
	_ =	sdelay $0x3  }
0x36: {  	p1 =	seq.s32 s10, $0x1;
	s10 =	sld [smem:$0x3FBA];
	_ =	sdelay $0x3  }
0x37: {  	[smem:$0x3FBA] =	sst s10  }
0x38: {  	s10 =	sld [smem:$0x3FBB]  }
0x39: {  	_ = 	snop;
	(pc) =	sbr.ind lr, $3  }
0x3a: {  	_ = 	snop  }
0x3b: {  	_ = 	snop  }
0x3c: {  	p2 =	seq.s32 s10, $0x1;
	s10 =	sld [smem:$0x3FBA]  }
0x3d: {  	_ =	shalt  }
0x3e: {  	_ =	shalt  }
0x3f: {  	_ =	shalt  }
0x40: {  	_ =	shalt  }
0x41: {  	_ =	shalt  }
0x42: {  	_ =	shalt  }
0x43: {  	_ =	shalt  }
0x44: {  	_ =	shalt  }
0x45: {  	_ =	shalt  }
0x46: {  	_ =	shalt  }
0x47: {  	_ =	shalt  }
0x48: {  	_ =	shalt  }
0x49: {  	_ =	shalt  }
0x4a: {  	_ =	shalt  }
0x4b: {  	_ =	shalt  }
0x4c: {  	_ =	shalt  }
0x4d: {  	_ =	shalt  }
0x4e: {  	_ =	shalt  }
0x4f: {  	_ =	shalt  }
0x50: {  	_ =	shalt  }
0x51: {  	_ =	shalt  }
0x52: {  	_ =	shalt  }
0x53: {  	_ =	shalt  }
0x54: {  	_ =	shalt  }
0x55: {  	_ =	shalt  }
0x56: {  	_ =	shalt  }
0x57: {  	_ =	shalt  }
0x58: {  	_ =	shalt  }
0x59: {  	_ =	shalt  }
0x5a: {  	_ =	shalt  }
0x5b: {  	_ =	shalt  }
0x5c: {  	_ =	shalt  }
0x5d: {  	_ =	shalt  }
0x5e: {  	_ =	shalt  }
0x5f: {  	_ =	shalt  }
0x60: {  	_ =	shalt  }
0x61: {  	_ =	shalt  }
0x62: {  	_ =	shalt  }
0x63: {  	_ =	shalt  }
0x64: {  	_ =	shalt  }
0x65: {  	_ =	shalt  }
0x66: {  	_ =	shalt  }
0x67: {  	_ =	shalt  }
0x68: {  	_ =	shalt  }
0x69: {  	_ =	shalt  }
0x6a: {  	_ =	shalt  }
0x6b: {  	_ =	shalt  }
0x6c: {  	_ =	shalt  }
0x6d: {  	_ =	shalt  }
0x6e: {  	_ =	shalt  }
0x6f: {  	_ =	shalt  }
0x70: {  	_ =	shalt  }
0x71: {  	_ =	shalt  }
0x72: {  	_ =	shalt  }
0x73: {  	_ =	shalt  }
0x74: {  	_ =	shalt  }
0x75: {  	_ =	shalt  }
0x76: {  	_ =	shalt  }
0x77: {  	_ =	shalt  }
0x78: {  	_ =	shalt  }
0x79: {  	_ =	shalt  }
0x7a: {  	_ =	shalt  }
0x7b: {  	_ =	shalt  }
0x7c: {  	_ =	shalt  }
0x7d: {  	_ =	shalt  }
0x7e: {  	_ =	shalt  }
0x7f: {  	_ =	shalt  }
0x80: {  	_ =	shalt  }
0x81: {  	_ =	shalt  }
0x82: {  	_ =	shalt  }
0x83: {  	_ =	shalt  }
0x84: {  	_ =	shalt  }
0x85: {  	_ =	shalt  }
0x86: {  	_ =	shalt  }
0x87: {  	_ =	shalt  }
.Lfunc_end0:
.L_simem_size_0:
called_computation.1_lowered:
.L_overlay_start_0:
0x88: {  	s2 =	sld [smem:$0x3FD9]  }
0x89: {  	s3 =	sld [smem:$0x3FFE];
	_ =	sdelay $0x1  }
0x8a: {  	s1 =	srdreg.scid  }
0x8b: {  	s0 =	sand.u32 $0x1, s1  }
0x8c: {  	s17 =	sshll.u32 s0, $0xA;
	s2 =	sadd.s32 s3, s2  }
0x8d: {  	s2 =	sadd.s32 s2, s17  }
0x8e: {  	[smem:$0x3FC6] =	sst s2  }
0x8f: {  	_ = 	snop  }
0x90: {  	s2 =	sld [smem:$0x3FD0];
	(tm) =	ssettm $0x1  }
0x91: {  	s18 =	sld [smem:$0x3FFB];
	_ =	sdelay $0x3  }
0x92: {  	_ =	strace s18  }
0x93: {  	s3 =	sld [smem:$0x3FFC];
	_ =	sdelay $0x3  }
0x94: {  	_ =	strace s3  }
0x95: {  	s3 =	sld [smem:$0x3FFD];
	_ =	sdelay $0x3  }
0x96: {  	_ =	strace s3  }
0x97: {  	_ =	strace $0x8FFFFFFF  }
0x98: {  	s19 =	sld [smem:$0x3FDB];
	_ =	sdelay $0x1  }
0x99: {  	s4 =	simm.s32 $_scs_section_size  }
0x9a: {  	s5 =	simm.s32 $_size__tile_overlayer_lowered;
	s6 =	simm.s32 $_tile_overlayer_lowered  }
0x9b: {  	s22 =	simm.s32 $0x1BFF;
	s21 =	sshll.u32 s6, $0x1;
	s3 =	sadd.s32 s4, s19  }
0x9c: {  	s7 =	simm.s32 $0x0;
	s20 =	sshll.u32 s5, $0x1;
	s5 =	sadd.s32 s21, s3  }
0x9d: {  	[timem:s7], [sflag:s22] =	dma.local [hbm:s5], s20  }
0x9e: {  	_ =	swait.ge [sflag:s22], s20  }
0x9f: {  	s4 =	ssub.s32 $0x0, s20;
	[sflag:s22] =	ssyncset.done $0x0  }
0xa0: {  	[sflag:s22] =	ssyncadd.s32 s4;
	_ =	sdelay $0x1  }
0xa1: {  	s23 =	simm.s32 $0x1B8B  }
0xa2: {  	_ =	swait.ge [sflag:s23], $0x1  }
0xa3: {  	[sflag:s23] =	ssyncset.done $0x0  }
0xa4: {  	s25 =	simm.s32 $0x1B8E;
	s24 =	sld [smem:$0x3FFE];
	[sflag:s23] =	ssyncadd.s32 $0xFFFFFFFF  }
0xa5: {  	s26 =	simm.s32 $execute0_lowered;
	[smem:$0x3FD2] =	sst s25  }
0xa6: {  	s5 =	sshll.u32 s26, $0x1;
	_ =	strace $0x80000046;
	[dreg:$0x1] =	wrdreg $0xFFFFFFFF  }
0xa7: {  	s28 =	simm.s32 $_size_execute0_lowered;
	s3 =	sadd.s32 s3, s5;
	[dreg:$0x0] =	wrdreg $0x0  }
0xa8: {  	s5 =	sshll.u32 s28, $0x1;
	[dreg:$0x2] =	wrdreg s3  }
0xa9: {  	[dreg:$0x3] =	wrdreg s5  }
0xaa: {  	[dreg:$0x4] =	wrdreg $0xC0  }
0xab: {  	_ =	task [dreg:s7], $0x5FFFF  }
0xac: {  	[dreg:$0x1] =	wrdreg $0xFFFFFFFF  }
0xad: {  	[dreg:$0x0] =	wrdreg $0x60  }
0xae: {  	[dreg:$0x2] =	wrdreg s24  }
0xaf: {  	[dreg:$0x3] =	wrdreg s2  }
0xb0: {  	[dreg:$0x4] =	wrdreg $0x9  }
0xb1: {  	_ =	task.clear_ibuf [dreg:s7], $0x5FFFF;
	_ =	strace $0x90000046  }
0xb2: {  	s29 =	simm.s32 $0x9;
	_ =	strace $0x80000048  }
0xb3: {  	_ =	swait.ge [sflag:s29], $0x1  }
0xb4: {  	[sflag:s29] =	ssyncadd.s32 $0xFFFFFFFF  }
0xb5: {  	_ =	strace $0x90000048  }
0xb6: {  	_ =	sfence  }
0xb7: {  	s30 =	sld [smem:$0x0];
	_ =	sdelay $0x2  }
0xb8: {  	s31 =	sshll.u32 s1, $0xD;
	s1 =	sshrl.u32 s1, $0x2  }
0xb9: {  	s3 =	sand.u32 $0x4000, s31;
	s1 =	sadd.s32 s1, s30  }
0xba: {  	s0 =	sor.u32 s3, s0;
	s1 =	sshll.u32 s1, $0x11  }
0xbb: {  	s0 =	sor.u32 s1, s0  }
0xbc: {  	s0 =	sadd.s32 $0x8F2B, s0  }
0xbd: {  	[sflag:s0] =	ssyncadd.remote.s32 $0x1  }
0xbe: {  	_ =	sfence.sel $0xFFFF  }
0xbf: {  	[dreg:$0x0] =	wrdreg $0xFFFFFFFF;
	(pc) =	sbr.abs _section_cstart, $3  }
0xc0: {  	[dreg:$0x1] =	wrdreg $0xFFFFFFFF  }
0xc1: {  	_ =	task.clear_ibuf [dreg:s7], $0x2FFFF;
	_ =	strace $0x9FFFFFFF  }
0xc2: {  	(tm) =	ssettm $0x7FFFFFFF  }
0xc3: {  	_ =	shalt  }
tec
execute0_lowered:
.L_overlay_start_1:
0x0: {  	(tag) =	ssettag $0x1  }
0x1: {  	s0 =	rddreg [dreg:$0x0]  }
0x2: {  	s1 =	srdreg.scid;
	s13 =	stileid.u32  }
0x3: {  	s4 =	rddreg [dreg:$0x1];
	s2 =	simm.s32 $0x0;
	s28 =	simm.s32 $0x960  }
0x4: {  	s29 =	simm.s32 $0x1;
	s30 =	simm.s32 $0xC80;
	s31 =	simm.s32 $0x2  }
0x5: {  	s1 =	sand.u32 $0x1, s1;
	s3 =	sshll.u32 s13, $0x1;
	[smem:$0x7FF] =	sst s2  }
0x6: {  	s5 =	sor.u32 s1, s3;
	s6 =	ssub.s32 $0x2, s1;
	s1 =	smul.u32 $0x19000, s1  }
0x7: {  	s8 =	sadd.s32 $0x800, s0;
	_ =	strace $0x80000047;
	s7 =	smul.u32 $0x19000, s5  }
0x8: {  	s3 =	sadd.s32 $0xFA6C00, s0;
	s9 =	sshrl.u32 s6, $0x1;
	s12 =	smul.u32 $0x64000, s5  }
0x9: {  	s5 =	smul.u32 $0x320000, s5;
	s0 =	ssub.s32 s6, s9;
	s19 =	sshrl.u32 s7, $0x3  }
0xa: {  	s20 =	sor.u32 $0x320, s7;
	s21 =	sor.u32 $0x640, s7;
	s24 =	sadd.s32 s4, s12  }
0xb: {  	s5 =	sshrl.u32 s5, $0x3;
	s0 =	smax.u32 s0, $0x1;
	[dreg:$0xb] =	wrdreg s24  }
0xc: {  	s14 =	sadd.s32 s8, s19;
	s10 =	sshrl.u32 s20, $0x3;
	[dreg:$0x17] =	wrdreg s0  }
0xd: {  	s11 =	sshrl.u32 s21, $0x3;
	s10 =	sadd.s32 s8, s10;
	[dreg:$0x7] =	wrdreg s14  }
0xe: {  	s7 =	sadd.s32 $0x18CE0, s7;
	s22 =	sadd.s32 s8, s11;
	[dreg:$0x8] =	wrdreg s10  }
0xf: {  	s6 =	sshll.u32 s20, $0x2;
	s23 =	sadd.s32 $0x12C, s14;
	[dreg:$0x9] =	wrdreg s22  }
0x10: {  	s26 =	sshll.u32 s21, $0x2;
	s25 =	sadd.s32 $0x190, s14;
	[dreg:$0xa] =	wrdreg s23  }
0x11: {  	s5 =	sadd.s32 s4, s5;
	s6 =	sadd.s32 s4, s6;
	[dreg:$0xc] =	wrdreg s25  }
0x12: {  	s18 =	sshll.u32 s7, $0x2;
	s12 =	sadd.s32 $0x258, s14;
	[dreg:$0xd] =	wrdreg s6  }
0x13: {  	s11 =	smul.u32 $0x32000, s13;
	s15 =	sadd.s32 $0x60E00, s5;
	[dreg:$0x10] =	wrdreg s12  }
0x14: {  	s13 =	sshrl.u32 s7, $0x3;
	s16 =	sadd.s32 $0x61A80, s5;
	[dreg:$0x13] =	wrdreg s15  }
0x15: {  	s7 =	simm.s32 $0x6;
	s10 =	sadd.s32 $0x1F4, s14;
	[dreg:$0x14] =	wrdreg s16  }
0x16: {  	s6 =	sadd.s32 s4, s26;
	s14 =	sadd.s32 $0x60180, s5;
	[dreg:$0xe] =	wrdreg s10  }
0x17: {  	s9 =	sadd.s32 s8, s13;
	s5 =	sadd.s32 $0x62700, s5;
	[dreg:$0xf] =	wrdreg s6  }
0x18: {  	s12 =	simm.s32 $0x8;
	s13 =	simm.s32 $0xA;
	[dreg:$0x11] =	wrdreg s14  }
0x19: {  	s15 =	simm.s32 $0xC;
	s16 =	simm.s32 $0x0;
	[dreg:$0x12] =	wrdreg s9  }
0x1a: {  	s1 =	sadd.s32 s1, s11;
	[dreg:$0x15] =	wrdreg s5;
	s5 =	sadd.s32 s4, s18  }
0x1b: {  	s9 =	simm.s32 $0x13880;
	s10 =	simm.s32 $0x7;
	s11 =	simm.s32 $0x9  }
0x1c: {  	s14 =	simm.s32 $0xB;
	s17 =	sadd.s32 $0x1F40, s1;
	[dreg:$0x16] =	wrdreg s5  }
0x1d: {  	s20 =	sshll.u32 s1, $0x2;
	s21 =	sadd.s32 $0x1C20, s1;
	s23 =	sadd.s32 $0x1900, s1  }
0x1e: {  	s1 =	sadd.s32 $0x15E0, s1;
	s6 =	sshrl.u32 s17, $0x3;
	s0 =	sadd.s32 s20, s4  }
0x1f: {  	s22 =	sshrl.u32 s21, $0x3;
	s5 =	sshrl.u32 s23, $0x3;
	s19 =	sadd.s32 s6, s8  }
0x20: {  	s1 =	sshrl.u32 s1, $0x3;
	s4 =	sadd.s32 s22, s8;
	[dreg:$0x3] =	wrdreg s19  }
0x21: {  	s24 =	sadd.s32 s5, s8;
	s25 =	sadd.s32 $0x4B00, s0;
	[dreg:$0x4] =	wrdreg s4  }
0x22: {  	s1 =	sadd.s32 s1, s8;
	s26 =	sadd.s32 $0x3E80, s0;
	[dreg:$0x18] =	wrdreg s25  }
0x23: {  	s23 =	sadd.s32 $0x2580, s0;
	s5 =	simm.s32 $0x3;
	[dreg:$0x5] =	wrdreg s24  }
0x24: {  	s6 =	simm.s32 $0xD480;
	s8 =	simm.s32 $0x4;
	[dreg:$0x19] =	wrdreg s26  }
0x25: {  	[dreg:$0x6] =	wrdreg s1;
	s24 =	sadd.s32 $0x3200, s0;
	s25 =	simm.s32 $0x320  }
0x26: {  	s26 =	simm.s32 $0x640;
	s1 =	simm.s32 $0x7080;
	s0 =	simm.s32 $0x5  }
.LBB2_1:
0x27: {  	s4 =	rddreg [dreg:$0x7]  }
0x28: {  	[tilespmem:s2], [sflag:$0x1] =	stream.linear.gather [hbm4b:s4+s2], $0x320, $0x38;
	[tilespmem:$0x19C80] =	vst v63  }
0x29: {  	s21 =	rddreg [dreg:$0x8]  }
0x2a: {  	[tilespmem:s25], [sflag:$0x2] =	stream.linear.gather [hbm4b:s21+s2], $0x320, $0x38;
	[tilespmem:$0x19C80] =	vst v63  }
0x2b: {  	s22 =	rddreg [dreg:$0x9]  }
0x2c: {  	[tilespmem:s26], [sflag:$0x3] =	stream.linear.gather [hbm4b:s22+s2], $0x320, $0x38;
	[tilespmem:$0x19C80] =	vst v63  }
0x2d: {  	s17 =	rddreg [dreg:$0xa]  }
0x2e: {  	[tilespmem:s28], [sflag:$0x4] =	stream.linear.gather [hbm4b:s17+s2], $0x320, $0x38;
	[tilespmem:$0x19C80] =	vst v63  }
0x2f: {  	_ =	swait.ge [sflag:s29], $0x320  }
0x30: {  	[sflag:s29] =	ssyncset.done $0x0  }
0x31: {  	[sflag:s29] =	ssyncadd.s32 $0xFFFFFCE0  }
0x32: {  	[tilespmem:s30], [sflag:$0x5] =	stream.indirect.gather [hbm4b:s3+s25], $0x20, s2, s25, $0xb8;
	[tilespmem:$0x19C80] =	vst v63  }
0x33: {  	_ =	swait.ge [sflag:s31], $0x320  }
0x34: {  	[sflag:s31] =	ssyncset.done $0x0  }
0x35: {  	[sflag:s31] =	ssyncadd.s32 $0xFFFFFCE0  }
0x36: {  	[tilespmem:s1], [sflag:$0x6] =	stream.indirect.gather [hbm4b:s3+s25], $0x20, s25, s25, $0xb8;
	[tilespmem:$0x19C80] =	vst v63  }
0x37: {  	_ =	swait.ge [sflag:s0], $0x6400  }
0x38: {  	[sflag:s0] =	ssyncset.done $0x0  }
0x39: {  	s18 =	rddreg [dreg:$0xb];
	[sflag:s0] =	ssyncadd.s32 $0xFFFF9C00  }
0x3a: {  	[hbm4b:s18+s2] =	stream.linear.scatter [tilespmem:s30], [sflag:$0x9], $0x6400, $0x38;
	[tilespmem:$0x19C80] =	vst v63  }
0x3b: {  	s19 =	rddreg [dreg:$0xc]  }
0x3c: {  	[tilespmem:s2], [sflag:$0x1] =	stream.linear.gather [hbm4b:s19+s2], $0x320, $0x38;
	[tilespmem:$0x19C80] =	vst v63  }
0x3d: {  	_ =	swait.ge [sflag:s5], $0x320  }
0x3e: {  	[sflag:s5] =	ssyncset.done $0x0  }
0x3f: {  	[sflag:s5] =	ssyncadd.s32 $0xFFFFFCE0  }
0x40: {  	[tilespmem:s6], [sflag:$0x7] =	stream.indirect.gather [hbm4b:s3+s25], $0x20, s26, s25, $0xb8;
	[tilespmem:$0x19C80] =	vst v63  }
0x41: {  	_ =	swait.ge [sflag:s7], $0x6400  }
0x42: {  	[sflag:s7] =	ssyncset.done $0x0  }
0x43: {  	s20 =	rddreg [dreg:$0xd];
	[sflag:s7] =	ssyncadd.s32 $0xFFFF9C00  }
0x44: {  	[hbm4b:s20+s2] =	stream.linear.scatter [tilespmem:s1], [sflag:$0xA], $0x6400, $0x38;
	[tilespmem:$0x19C80] =	vst v63  }
0x45: {  	s21 =	rddreg [dreg:$0xe]  }
0x46: {  	[tilespmem:s25], [sflag:$0x2] =	stream.linear.gather [hbm4b:s21+s2], $0x320, $0x38;
	[tilespmem:$0x19C80] =	vst v63  }
0x47: {  	_ =	swait.ge [sflag:s8], $0x320  }
0x48: {  	[sflag:s8] =	ssyncset.done $0x0  }
0x49: {  	[sflag:s8] =	ssyncadd.s32 $0xFFFFFCE0  }
0x4a: {  	[tilespmem:s9], [sflag:$0x8] =	stream.indirect.gather [hbm4b:s3+s25], $0x20, s28, s25, $0xb8;
	[tilespmem:$0x19C80] =	vst v63  }
0x4b: {  	_ =	swait.ge [sflag:s10], $0x6400  }
0x4c: {  	[sflag:s10] =	ssyncset.done $0x0  }
0x4d: {  	s22 =	rddreg [dreg:$0xf];
	[sflag:s10] =	ssyncadd.s32 $0xFFFF9C00  }
0x4e: {  	[hbm4b:s22+s2] =	stream.linear.scatter [tilespmem:s6], [sflag:$0xB], $0x6400, $0x38;
	[tilespmem:$0x19C80] =	vst v63  }
0x4f: {  	s17 =	rddreg [dreg:$0x10]  }
0x50: {  	[tilespmem:s26], [sflag:$0x3] =	stream.linear.gather [hbm4b:s17+s2], $0x320, $0x38;
	[tilespmem:$0x19C80] =	vst v63  }
0x51: {  	_ =	swait.ge [sflag:s29], $0x320  }
0x52: {  	[sflag:s29] =	ssyncset.done $0x0  }
0x53: {  	[sflag:s29] =	ssyncadd.s32 $0xFFFFFCE0  }
0x54: {  	_ =	swait.ge [sflag:s11], $0x6400  }
0x55: {  	[sflag:s11] =	ssyncset.done $0x0  }
0x56: {  	[sflag:s11] =	ssyncadd.s32 $0xFFFF9C00  }
0x57: {  	[tilespmem:s30], [sflag:$0x5] =	stream.indirect.gather [hbm4b:s3+s25], $0x20, s2, s25, $0xb8;
	[tilespmem:$0x19C80] =	vst v63  }
0x58: {  	_ =	swait.ge [sflag:s12], $0x6400  }
0x59: {  	[sflag:s12] =	ssyncset.done $0x0  }
0x5a: {  	s18 =	rddreg [dreg:$0x6];
	[sflag:s12] =	ssyncadd.s32 $0xFFFF9C00  }
0x5b: {  	[hbm4b:s23+s2] =	stream.linear.scatter [tilespmem:s9], [sflag:$0xC], $0x6400, $0x38;
	[tilespmem:$0x19C80] =	vst v63  }
0x5c: {  	s4 =	sadd.s32 $0x0, s18  }
0x5d: {  	[tilespmem:s28], [sflag:$0x4] =	stream.linear.gather [hbm4b:s4+s2], $0x320, $0x38;
	[tilespmem:$0x19C80] =	vst v63  }
0x5e: {  	_ =	swait.ge [sflag:s31], $0x320  }
0x5f: {  	[sflag:s31] =	ssyncset.done $0x0  }
0x60: {  	[sflag:s31] =	ssyncadd.s32 $0xFFFFFCE0  }
0x61: {  	_ =	swait.ge [sflag:s13], $0x6400  }
0x62: {  	[sflag:s13] =	ssyncset.done $0x0  }
0x63: {  	[sflag:s13] =	ssyncadd.s32 $0xFFFF9C00  }
0x64: {  	[tilespmem:s1], [sflag:$0x6] =	stream.indirect.gather [hbm4b:s3+s25], $0x20, s25, s25, $0xb8;
	[tilespmem:$0x19C80] =	vst v63  }
0x65: {  	_ =	swait.ge [sflag:s0], $0x6400  }
0x66: {  	[sflag:s0] =	ssyncset.done $0x0  }
0x67: {  	s19 =	rddreg [dreg:$0x5];
	[sflag:s0] =	ssyncadd.s32 $0xFFFF9C00  }
0x68: {  	[hbm4b:s24+s2] =	stream.linear.scatter [tilespmem:s30], [sflag:$0x9], $0x6400, $0x38;
	[tilespmem:$0x19C80] =	vst v63  }
0x69: {  	s4 =	sadd.s32 $0x0, s19  }
0x6a: {  	[tilespmem:s2], [sflag:$0x1] =	stream.linear.gather [hbm4b:s4+s2], $0x320, $0x38;
	[tilespmem:$0x19C80] =	vst v63  }
0x6b: {  	_ =	swait.ge [sflag:s5], $0x320  }
0x6c: {  	[sflag:s5] =	ssyncset.done $0x0  }
0x6d: {  	[sflag:s5] =	ssyncadd.s32 $0xFFFFFCE0  }
0x6e: {  	_ =	swait.ge [sflag:s14], $0x6400  }
0x6f: {  	[sflag:s14] =	ssyncset.done $0x0  }
0x70: {  	[sflag:s14] =	ssyncadd.s32 $0xFFFF9C00  }
0x71: {  	[tilespmem:s6], [sflag:$0x7] =	stream.indirect.gather [hbm4b:s3+s25], $0x20, s26, s25, $0xb8;
	[tilespmem:$0x19C80] =	vst v63  }
0x72: {  	_ =	swait.ge [sflag:s7], $0x6400  }
0x73: {  	[sflag:s7] =	ssyncset.done $0x0;
	s20 =	rddreg [dreg:$0x4]  }
0x74: {  	s22 =	rddreg [dreg:$0x19];
	[sflag:s7] =	ssyncadd.s32 $0xFFFF9C00  }
0x75: {  	[hbm4b:s22+s2] =	stream.linear.scatter [tilespmem:s1], [sflag:$0xA], $0x6400, $0x38;
	[tilespmem:$0x19C80] =	vst v63  }
0x76: {  	s4 =	sadd.s32 $0x0, s20  }
0x77: {  	[tilespmem:s25], [sflag:$0x2] =	stream.linear.gather [hbm4b:s4+s2], $0x320, $0x38;
	[tilespmem:$0x19C80] =	vst v63  }
0x78: {  	_ =	swait.ge [sflag:s8], $0x320  }
0x79: {  	[sflag:s8] =	ssyncset.done $0x0  }
0x7a: {  	[sflag:s8] =	ssyncadd.s32 $0xFFFFFCE0  }
0x7b: {  	_ =	swait.ge [sflag:s15], $0x6400  }
0x7c: {  	[sflag:s15] =	ssyncset.done $0x0  }
0x7d: {  	[sflag:s15] =	ssyncadd.s32 $0xFFFF9C00  }
0x7e: {  	[tilespmem:s9], [sflag:$0x8] =	stream.indirect.gather [hbm4b:s3+s25], $0x20, s28, s25, $0xb8;
	[tilespmem:$0x19C80] =	vst v63  }
0x7f: {  	s17 =	simm.s32 $0x190;
	_ =	swait.ge [sflag:s10], $0x6400  }
0x80: {  	s18 =	sadd.s32 $0x3200, s23;
	[sflag:s10] =	ssyncset.done $0x0;
	s21 =	rddreg [dreg:$0x3]  }
0x81: {  	s19 =	sadd.s32 $0x3200, s24;
	s20 =	rddreg [dreg:$0x18];
	[sflag:s10] =	ssyncadd.s32 $0xFFFF9C00  }
0x82: {  	[hbm4b:s20+s2] =	stream.linear.scatter [tilespmem:s6], [sflag:$0xB], $0x6400, $0x38;
	[tilespmem:$0x19C80] =	vst v63  }
0x83: {  	s4 =	sadd.s32 $0x3200, s22;
	s21 =	sadd.s32 $0x0, s21;
	s20 =	sadd.s32 $0x3200, s20  }
.LBB2_2:
0x84: {  	[tilespmem:s26], [sflag:$0x3] =	stream.linear.gather [hbm4b:s21+s2], $0x320, $0x38;
	[tilespmem:$0x19C80] =	vst v63  }
0x85: {  	_ =	swait.ge [sflag:s29], $0x320  }
0x86: {  	[sflag:s29] =	ssyncset.done $0x0  }
0x87: {  	[sflag:s29] =	ssyncadd.s32 $0xFFFFFCE0  }
0x88: {  	_ =	swait.ge [sflag:s11], $0x6400  }
0x89: {  	[sflag:s11] =	ssyncset.done $0x0  }
0x8a: {  	[sflag:s11] =	ssyncadd.s32 $0xFFFF9C00  }
0x8b: {  	[tilespmem:s30], [sflag:$0x5] =	stream.indirect.gather [hbm4b:s3+s25], $0x20, s2, s25, $0xb8;
	[tilespmem:$0x19C80] =	vst v63  }
0x8c: {  	_ =	swait.ge [sflag:s12], $0x6400  }
0x8d: {  	[sflag:s12] =	ssyncset.done $0x0  }
0x8e: {  	s21 =	smov.u32 s17;
	s22 =	rddreg [dreg:$0x6];
	[sflag:s12] =	ssyncadd.s32 $0xFFFF9C00  }
0x8f: {  	[hbm4b:s18+s2] =	stream.linear.scatter [tilespmem:s9], [sflag:$0xC], $0x6400, $0x38;
	[tilespmem:$0x19C80] =	vst v63  }
0x90: {  	s22 =	sadd.s32 s21, s22  }
0x91: {  	[tilespmem:s28], [sflag:$0x4] =	stream.linear.gather [hbm4b:s22+s2], $0x320, $0x38;
	[tilespmem:$0x19C80] =	vst v63  }
0x92: {  	_ =	swait.ge [sflag:s31], $0x320  }
0x93: {  	[sflag:s31] =	ssyncset.done $0x0  }
0x94: {  	[sflag:s31] =	ssyncadd.s32 $0xFFFFFCE0  }
0x95: {  	_ =	swait.ge [sflag:s13], $0x6400  }
0x96: {  	[sflag:s13] =	ssyncset.done $0x0  }
0x97: {  	[sflag:s13] =	ssyncadd.s32 $0xFFFF9C00  }
0x98: {  	[tilespmem:s1], [sflag:$0x6] =	stream.indirect.gather [hbm4b:s3+s25], $0x20, s25, s25, $0xb8;
	[tilespmem:$0x19C80] =	vst v63  }
0x99: {  	_ =	swait.ge [sflag:s0], $0x6400  }
0x9a: {  	[sflag:s0] =	ssyncset.done $0x0  }
0x9b: {  	s22 =	rddreg [dreg:$0x5];
	[sflag:s0] =	ssyncadd.s32 $0xFFFF9C00  }
0x9c: {  	[hbm4b:s19+s2] =	stream.linear.scatter [tilespmem:s30], [sflag:$0x9], $0x6400, $0x38;
	[tilespmem:$0x19C80] =	vst v63  }
0x9d: {  	s22 =	sadd.s32 s21, s22  }
0x9e: {  	[tilespmem:s2], [sflag:$0x1] =	stream.linear.gather [hbm4b:s22+s2], $0x320, $0x38;
	[tilespmem:$0x19C80] =	vst v63  }
0x9f: {  	_ =	swait.ge [sflag:s5], $0x320  }
0xa0: {  	[sflag:s5] =	ssyncset.done $0x0  }
0xa1: {  	[sflag:s5] =	ssyncadd.s32 $0xFFFFFCE0  }
0xa2: {  	_ =	swait.ge [sflag:s14], $0x6400  }
0xa3: {  	[sflag:s14] =	ssyncset.done $0x0  }
0xa4: {  	[sflag:s14] =	ssyncadd.s32 $0xFFFF9C00  }
0xa5: {  	[tilespmem:s6], [sflag:$0x7] =	stream.indirect.gather [hbm4b:s3+s25], $0x20, s26, s25, $0xb8;
	[tilespmem:$0x19C80] =	vst v63  }
0xa6: {  	_ =	swait.ge [sflag:s7], $0x6400  }
0xa7: {  	[sflag:s7] =	ssyncset.done $0x0  }
0xa8: {  	s22 =	rddreg [dreg:$0x4];
	[sflag:s7] =	ssyncadd.s32 $0xFFFF9C00  }
0xa9: {  	[hbm4b:s4+s2] =	stream.linear.scatter [tilespmem:s1], [sflag:$0xA], $0x6400, $0x38;
	[tilespmem:$0x19C80] =	vst v63  }
0xaa: {  	s22 =	sadd.s32 s21, s22  }
0xab: {  	[tilespmem:s25], [sflag:$0x2] =	stream.linear.gather [hbm4b:s22+s2], $0x320, $0x38;
	[tilespmem:$0x19C80] =	vst v63  }
0xac: {  	_ =	swait.ge [sflag:s8], $0x320  }
0xad: {  	[sflag:s8] =	ssyncset.done $0x0  }
0xae: {  	[sflag:s8] =	ssyncadd.s32 $0xFFFFFCE0  }
0xaf: {  	_ =	swait.ge [sflag:s15], $0x6400  }
0xb0: {  	[sflag:s15] =	ssyncset.done $0x0  }
0xb1: {  	p0 =	sne.s32 s17, $0x2D50;
	[sflag:s15] =	ssyncadd.s32 $0xFFFF9C00  }
0xb2: {  	[tilespmem:s9], [sflag:$0x8] =	stream.indirect.gather [hbm4b:s3+s25], $0x20, s28, s25, $0xb8;
	[tilespmem:$0x19C80] =	vst v63  }
.Ltmp0:
0xb3: {  	_ =	swait.ge [sflag:s10], $0x6400;
	(pc) =	sbr.rel @p0 .LBB2_2-.Ltmp0, $4  }
0xb4: {  	s17 =	sadd.s32 $0x190, s17;
	s18 =	sadd.s32 $0x3200, s18;
	[sflag:s10] =	ssyncset.done $0x0  }
0xb5: {  	s19 =	sadd.s32 $0x3200, s19;
	s22 =	rddreg [dreg:$0x3];
	[sflag:s10] =	ssyncadd.s32 $0xFFFF9C00  }
0xb6: {  	[hbm4b:s20+s2] =	stream.linear.scatter [tilespmem:s6], [sflag:$0xB], $0x6400, $0x38;
	[tilespmem:$0x19C80] =	vst v63  }
0xb7: {  	s4 =	sadd.s32 $0x3200, s4;
	s21 =	sadd.s32 s21, s22;
	s20 =	sadd.s32 $0x3200, s20  }
0xb8: {  	[tilespmem:s26], [sflag:$0x3] =	stream.linear.gather [hbm4b:s21+s2], $0x320, $0x38;
	[tilespmem:$0x19C80] =	vst v63  }
0xb9: {  	_ =	swait.ge [sflag:s29], $0x320  }
0xba: {  	[sflag:s29] =	ssyncset.done $0x0  }
0xbb: {  	[sflag:s29] =	ssyncadd.s32 $0xFFFFFCE0  }
0xbc: {  	_ =	swait.ge [sflag:s11], $0x6400  }
0xbd: {  	[sflag:s11] =	ssyncset.done $0x0  }
0xbe: {  	[sflag:s11] =	ssyncadd.s32 $0xFFFF9C00  }
0xbf: {  	[tilespmem:s30], [sflag:$0x5] =	stream.indirect.gather [hbm4b:s3+s25], $0x20, s2, s25, $0xb8;
	[tilespmem:$0x19C80] =	vst v63  }
0xc0: {  	_ =	swait.ge [sflag:s12], $0x6400  }
0xc1: {  	[sflag:s12] =	ssyncset.done $0x0  }
0xc2: {  	s4 =	rddreg [dreg:$0x11];
	[sflag:s12] =	ssyncadd.s32 $0xFFFF9C00  }
0xc3: {  	[hbm4b:s4+s2] =	stream.linear.scatter [tilespmem:s9], [sflag:$0xC], $0x6400, $0x38;
	[tilespmem:$0x19C80] =	vst v63  }
0xc4: {  	s17 =	rddreg [dreg:$0x12]  }
0xc5: {  	[tilespmem:s28], [sflag:$0x4] =	stream.linear.gather [hbm4b:s17+s2], $0x320, $0x38;
	[tilespmem:$0x19C80] =	vst v63  }
0xc6: {  	_ =	swait.ge [sflag:s31], $0x320  }
0xc7: {  	[sflag:s31] =	ssyncset.done $0x0  }
0xc8: {  	[sflag:s31] =	ssyncadd.s32 $0xFFFFFCE0  }
0xc9: {  	_ =	swait.ge [sflag:s13], $0x6400  }
0xca: {  	[sflag:s13] =	ssyncset.done $0x0  }
0xcb: {  	[sflag:s13] =	ssyncadd.s32 $0xFFFF9C00  }
0xcc: {  	[tilespmem:s1], [sflag:$0x6] =	stream.indirect.gather [hbm4b:s3+s25], $0x20, s25, s25, $0xb8;
	[tilespmem:$0x19C80] =	vst v63  }
0xcd: {  	_ =	swait.ge [sflag:s0], $0x6400  }
0xce: {  	[sflag:s0] =	ssyncset.done $0x0  }
0xcf: {  	s18 =	rddreg [dreg:$0x13];
	[sflag:s0] =	ssyncadd.s32 $0xFFFF9C00  }
0xd0: {  	[hbm4b:s18+s2] =	stream.linear.scatter [tilespmem:s30], [sflag:$0x9], $0x6400, $0x38;
	[tilespmem:$0x19C80] =	vst v63  }
0xd1: {  	_ =	swait.ge [sflag:s5], $0x320  }
0xd2: {  	[sflag:s5] =	ssyncset.done $0x0  }
0xd3: {  	[sflag:s5] =	ssyncadd.s32 $0xFFFFFCE0  }
0xd4: {  	_ =	swait.ge [sflag:s14], $0x6400  }
0xd5: {  	[sflag:s14] =	ssyncset.done $0x0  }
0xd6: {  	[sflag:s14] =	ssyncadd.s32 $0xFFFF9C00  }
0xd7: {  	[tilespmem:s6], [sflag:$0x7] =	stream.indirect.gather [hbm4b:s3+s25], $0x20, s26, s25, $0xb8;
	[tilespmem:$0x19C80] =	vst v63  }
0xd8: {  	_ =	swait.ge [sflag:s7], $0x6400  }
0xd9: {  	[sflag:s7] =	ssyncset.done $0x0  }
0xda: {  	s19 =	rddreg [dreg:$0x14];
	[sflag:s7] =	ssyncadd.s32 $0xFFFF9C00  }
0xdb: {  	[hbm4b:s19+s2] =	stream.linear.scatter [tilespmem:s1], [sflag:$0xA], $0x6400, $0x38;
	[tilespmem:$0x19C80] =	vst v63  }
0xdc: {  	_ =	swait.ge [sflag:s8], $0x320  }
0xdd: {  	[sflag:s8] =	ssyncset.done $0x0  }
0xde: {  	[sflag:s8] =	ssyncadd.s32 $0xFFFFFCE0  }
0xdf: {  	_ =	swait.ge [sflag:s15], $0x6400  }
0xe0: {  	[sflag:s15] =	ssyncset.done $0x0  }
0xe1: {  	[sflag:s15] =	ssyncadd.s32 $0xFFFF9C00  }
0xe2: {  	[tilespmem:s9], [sflag:$0x8] =	stream.indirect.gather [hbm4b:s3+s25], $0x20, s28, s25, $0xb8;
	[tilespmem:$0x19C80] =	vst v63  }
0xe3: {  	_ =	swait.ge [sflag:s10], $0x6400  }
0xe4: {  	[sflag:s10] =	ssyncset.done $0x0  }
0xe5: {  	s20 =	rddreg [dreg:$0x15];
	[sflag:s10] =	ssyncadd.s32 $0xFFFF9C00  }
0xe6: {  	[hbm4b:s20+s2] =	stream.linear.scatter [tilespmem:s6], [sflag:$0xB], $0x6400, $0x38;
	[tilespmem:$0x19C80] =	vst v63  }
0xe7: {  	_ =	swait.ge [sflag:s12], $0x6400  }
0xe8: {  	[sflag:s12] =	ssyncset.done $0x0  }
0xe9: {  	s21 =	rddreg [dreg:$0x16];
	[sflag:s12] =	ssyncadd.s32 $0xFFFF9C00  }
0xea: {  	[hbm4b:s21+s2] =	stream.linear.scatter [tilespmem:s9], [sflag:$0xC], $0x6400, $0x38;
	[tilespmem:$0x19C80] =	vst v63  }
0xeb: {  	_ =	swait.ge [sflag:s11], $0x6400  }
0xec: {  	[sflag:s11] =	ssyncset.done $0x0  }
0xed: {  	[sflag:s11] =	ssyncadd.s32 $0xFFFF9C00  }
0xee: {  	_ =	swait.ge [sflag:s13], $0x6400  }
0xef: {  	[sflag:s13] =	ssyncset.done $0x0  }
0xf0: {  	[sflag:s13] =	ssyncadd.s32 $0xFFFF9C00  }
0xf1: {  	_ =	swait.ge [sflag:s14], $0x6400  }
0xf2: {  	[sflag:s14] =	ssyncset.done $0x0  }
0xf3: {  	[sflag:s14] =	ssyncadd.s32 $0xFFFF9C00  }
0xf4: {  	_ =	swait.ge [sflag:s15], $0x6400  }
0xf5: {  	s16 =	sadd.s32 $0x1, s16;
	s22 =	rddreg [dreg:$0x17]  }
0xf6: {  	p0 =	sne.s32 s16, s22  }
.Ltmp1:
0xf7: {  	_ = 	snop;
	(pc) =	sbr.rel @p0 .LBB2_1-.Ltmp1, $3  }
0xf8: {  	_ =	sdelay $0x1  }
0xf9: {  	[sflag:s15] =	ssyncset.done $0x0  }
0xfa: {  	[sflag:s15] =	ssyncadd.s32 $0xFFFF9C00  }
0xfb: {  	_ =	sfence.sel $0x180000  }
0xfc: {  	[bflag:$0x0] =	sbarrier.arrive $0xFFFF  }
0xfd: {  	_ =	strace $0x90000047  }
0xfe: {  	s0 =	stileid.u32;
	[bflag:$0x2] =	sbarrier.arrive $0xFFFF  }
0xff: {  	p0 =	sne.s32 s0, $0x0;
	s0 =	rddreg [dreg:$0x2]  }
0x100: {  	s0 =	sadd.s32 @!p0 $0x100000, s0  }
0x101: {  	[sflag:s0] =	ssyncadd.tile.s32 @!p0 $0x1;
	_ =	shalt  }
.Lfunc_end2:
_tile_overlayer_lowered:
.L_overlay_start_2:
0x102: {  	(tag) =	ssettag $0x2  }
0x103: {  	s0 =	rddreg [dreg:$0x0];
	s2 =	stileid.u32  }
0x104: {  	s1 =	rddreg [dreg:$0x1];
	p0 =	sne.s32 s2, $0x0  }
0x105: {  	s3 =	rddreg [dreg:$0x2];
	[bflag:$0x3] =	sbarrier.arrive $0xFFFF;
	s2 =	simm.s32 @!p0 $0x1C0D  }
0x106: {  	[timem:s3], [sflag:s2] =	dma.local @!p0 [hbm:s0], s1  }
0x107: {  	s0 =	simm.s32 @!p0 $0xD  }
0x108: {  	_ =	swait.ge @!p0 [sflag:s0], s1  }
0x109: {  	s1 =	ssub.s32 @!p0 $0x0, s1;
	[sflag:s0] =	ssyncset.done @!p0 $0x0  }
0x10a: {  	[sflag:s0] =	ssyncadd.s32 @!p0 s1  }
0x10b: {  	[bflag:$0x3] =	sbarrier.arrive $0xFFFF  }
0x10c: {  	_ =	shalt  }

// kernel: sparse-core-data-format-call.cloned.1.call-start
scs
called_computation_lowered:
.L_overlay_start_0:
0x0: {  	s2 =	sld [smem:$0x3FD9]  }
0x1: {  	s3 =	sld [smem:$0x3FFE];
	_ =	sdelay $0x1  }
0x2: {  	s1 =	srdreg.scid  }
0x3: {  	s0 =	sand.u32 $0x1, s1  }
0x4: {  	s18 =	sshll.u32 s0, $0xA;
	s2 =	sadd.s32 s3, s2  }
0x5: {  	s2 =	sadd.s32 s2, s18  }
0x6: {  	[smem:$0x3FC6] =	sst s2  }
0x7: {  	_ = 	snop  }
0x8: {  	s2 =	sld [smem:$0x3FD0];
	(tm) =	ssettm $0x1  }
0x9: {  	s19 =	sld [smem:$0x3FFB];
	_ =	sdelay $0x3  }
0xa: {  	_ =	strace s19  }
0xb: {  	s3 =	sld [smem:$0x3FFC];
	_ =	sdelay $0x3  }
0xc: {  	_ =	strace s3  }
0xd: {  	s3 =	sld [smem:$0x3FFD];
	_ =	sdelay $0x3  }
0xe: {  	_ =	strace s3  }
0xf: {  	_ =	strace $0x8FFFFFFF  }
0x10: {  	s20 =	sld [smem:$0x3FDB];
	_ =	sdelay $0x1  }
0x11: {  	s4 =	simm.s32 $_scs_section_size  }
0x12: {  	s5 =	simm.s32 $_size__tile_overlayer_lowered;
	s6 =	simm.s32 $_tile_overlayer_lowered  }
0x13: {  	s23 =	simm.s32 $0x1BFF;
	s22 =	sshll.u32 s6, $0x1;
	s3 =	sadd.s32 s4, s20  }
0x14: {  	s7 =	simm.s32 $0x0;
	s21 =	sshll.u32 s5, $0x1;
	s5 =	sadd.s32 s22, s3  }
0x15: {  	[timem:s7], [sflag:s23] =	dma.local [hbm:s5], s21  }
0x16: {  	_ =	swait.ge [sflag:s23], s21  }
0x17: {  	s4 =	ssub.s32 $0x0, s21;
	[sflag:s23] =	ssyncset.done $0x0  }
0x18: {  	[sflag:s23] =	ssyncadd.s32 s4;
	_ =	sdelay $0x1  }
0x19: {  	s24 =	simm.s32 $0x1B8B  }
0x1a: {  	_ =	swait.ge [sflag:s24], $0x1  }
0x1b: {  	[sflag:s24] =	ssyncset.done $0x0  }
0x1c: {  	s26 =	simm.s32 $0x1B8E;
	s25 =	sld [smem:$0x3FFE];
	[sflag:s24] =	ssyncadd.s32 $0xFFFFFFFF  }
0x1d: {  	s27 =	simm.s32 $execute0_lowered;
	[smem:$0x3FD2] =	sst s26  }
0x1e: {  	s5 =	sshll.u32 s27, $0x1;
	_ =	strace $0x80000049;
	[dreg:$0x1] =	wrdreg $0xFFFFFFFF  }
0x1f: {  	s28 =	simm.s32 $_size_execute0_lowered;
	s3 =	sadd.s32 s3, s5;
	[dreg:$0x0] =	wrdreg $0x0  }
0x20: {  	s5 =	sshll.u32 s28, $0x1;
	[dreg:$0x2] =	wrdreg s3  }
0x21: {  	[dreg:$0x3] =	wrdreg s5  }
0x22: {  	[dreg:$0x4] =	wrdreg $0xC0  }
0x23: {  	_ =	task [dreg:s7], $0x5FFFF  }
0x24: {  	[dreg:$0x1] =	wrdreg $0xFFFFFFFF  }
0x25: {  	[dreg:$0x0] =	wrdreg $0x60  }
0x26: {  	[dreg:$0x2] =	wrdreg s25  }
0x27: {  	[dreg:$0x3] =	wrdreg s2  }
0x28: {  	[dreg:$0x4] =	wrdreg $0x9  }
0x29: {  	_ =	task.clear_ibuf [dreg:s7], $0x5FFFF;
	_ =	strace $0x90000049  }
0x2a: {  	s29 =	simm.s32 $0x9;
	_ =	strace $0x8000004B  }
0x2b: {  	_ =	swait.ge [sflag:s29], $0x1  }
0x2c: {  	[sflag:s29] =	ssyncadd.s32 $0xFFFFFFFF  }
0x2d: {  	_ =	strace $0x9000004B  }
0x2e: {  	_ =	sfence  }
0x2f: {  	s30 =	sld [smem:$0x0];
	_ =	sdelay $0x2  }
0x30: {  	s31 =	sshll.u32 s1, $0xD;
	s1 =	sshrl.u32 s1, $0x2  }
0x31: {  	s3 =	sand.u32 $0x4000, s31;
	s1 =	sadd.s32 s1, s30  }
0x32: {  	s0 =	sor.u32 s3, s0;
	s1 =	sshll.u32 s1, $0x11  }
0x33: {  	s0 =	sor.u32 s1, s0  }
0x34: {  	s0 =	sadd.s32 $0x8F2B, s0  }
0x35: {  	[sflag:s0] =	ssyncadd.remote.s32 $0x1  }
0x36: {  	_ =	sfence.sel $0xFFFF  }
0x37: {  	[dreg:$0x0] =	wrdreg $0xFFFFFFFF;
	(pc) =	sbr.abs _section_cstart, $3  }
0x38: {  	[dreg:$0x1] =	wrdreg $0xFFFFFFFF  }
0x39: {  	_ =	task.clear_ibuf [dreg:s7], $0x2FFFF;
	_ =	strace $0x9FFFFFFF  }
0x3a: {  	(tm) =	ssettm $0x7FFFFFFF  }
0x3b: {  	_ =	shalt  }
tec
execute0_lowered:
.L_overlay_start_1:
0x0: {  	(tag) =	ssettag $0x1  }
0x1: {  	s0 =	srdreg.scid  }
0x2: {  	s1 =	sshll.u32 s0, $0x4  }
0x3: {  	s9 =	rddreg [dreg:$0x0];
	s0 =	stileid.u32;
	s1 =	sand.u32 $0x10, s1  }
0x4: {  	s3 =	rddreg [dreg:$0x1];
	s5 =	simm.s32 $0x1;
	s1 =	sor.u32 s0, s1  }
0x5: {  	s7 =	simm.s32 $0x2;
	s15 =	simm.s32 $0x0;
	s2 =	sshll.u32 s1, $0x7  }
0x6: {  	s11 =	simm.s32 $0x20000;
	s16 =	simm.s32 $0x0;
	s4 =	ssub.s32 $0x4000, s2  }
0x7: {  	s13 =	simm.s32 $0x0;
	s14 =	simm.s32 $0x0;
	s31 =	sand.u32 $0xF80, s4  }
0x8: {  	s8 =	sadd.s32 $0x80800, s9;
	s1 =	rddreg [dreg:$0x2];
	p0 =	sne.s32 s31, $0x0  }
.Ltmp0:
0x9: {  	s6 =	sshrl.u32 s4, $0xC;
	s5 =	simm.s32 @!p0 $0x0;
	(pc) =	sbr.rel .LBB1_1-.Ltmp0, $4  }
0xa: {  	_ =	strace $0x8000004A;
	s4 =	simm.s32 $0x1;
	s5 =	sadd.s32 s5, s6  }
0xb: {  	s12 =	smov.u32 s2;
	[sflag:s4] =	ssyncpa.u1 $0x0;
	s5 =	smul.u32 $0x32, s5  }
0xc: {  	[sflag:s7] =	ssyncpa.u1 $0x0;
	s7 =	sadd.s32 $0x40800, s9;
	p0 =	por $0x0, $0x0  }
0xd: {  	s6 =	sadd.s32 $0x800, s9;
	s9 =	sadd.s32 $0xC0800, s9;
	s10 =	sor.u32 $0x1, s5  }
.LBB1_7:
0xe: {  	s17 =	sadd.s32 $0x1000, s12  }
0xf: {  	s15 =	sadd.s32 $0x4, s13;
	s19 =	smov.u32 s13;
	p2 =	sgt.s32 s17, $0x3FFF  }
0x10: {  	s19 =	smov.u32 @p2 s15  }
0x11: {  	s17 =	smov.u32 @p2 s2;
	p2 =	sgt.s32 s19, $0xC7  }
0x12: {  	s19 =	simm.s32 @p2 $0x0;
	p2 =	sne.s32 s14, s10  }
.Ltmp1:
0x13: {  	p1 =	slt.u32 s14, $0x2;
	(pc) =	sbr.rel @!p2 .LBB1_8-.Ltmp1, $4  }
0x14: {  	s18 =	simm.s32 @!p1 $0x2  }
0x15: {  	s16 =	smov.u32 s13;
	p0 =	por !p0, !p0;
	_ =	swait.ge @!p1 [sflag:s18], $0x4000  }
0x16: {  	s15 =	smov.u32 s12;
	[sflag:s18] =	ssyncset.done @!p1 $0x0;
	s12 =	smov.u32 s17  }
0x17: {  	s14 =	sadd.s32 $0x1, s14;
	[sflag:s18] =	ssyncadd.s32 @!p1 $0xFFFFC000;
	s13 =	smov.u32 s19  }
.LBB1_1:
0x18: {  	p1 =	sge.u32 s14, s5  }
0x19: {  	s17 =	sxor.u32 @!p1 $0xFFFFFFFF, s14  }
0x1a: {  	s18 =	sshll.u32 @!p1 s13, $0x12;
	s19 =	sshll.u32 @!p1 s12, $0x4;
	s21 =	simm.s32 @!p1 $0x20  }
0x1b: {  	s17 =	sshll.u32 @!p1 s17, $0xE;
	s19 =	sand.u32 @!p1 $0x3FFF0, s19;
	s20 =	sadd.s32 @!p1 s6, s18  }
0x1c: {  	s22 =	simm.s32 @!p1 $0x80;
	s17 =	sand.u32 @!p1 $0x4000, s17;
	s20 =	sadd.s32 @!p1 s19, s20  }
0x1d: {  	[tilespmem:s17], [sflag:$0x1] =	stream.strided.gather @!p1 [hbm4b:s20+s21], $0x1000, s22, s21, $0x38;
	[tilespmem:$0x10100] =	vst v63  }
0x1e: {  	s20 =	sadd.s32 @!p1 s18, s7  }
0x1f: {  	s23 =	sor.u32 @!p1 $0x1000, s17;
	s20 =	sadd.s32 @!p1 s19, s20  }
0x20: {  	[tilespmem:s23], [sflag:$0x1] =	stream.strided.gather @!p1 [hbm4b:s20+s21], $0x1000, s22, s21, $0x38;
	[tilespmem:$0x10100] =	vst v63  }
0x21: {  	s20 =	sadd.s32 @!p1 s18, s8  }
0x22: {  	s23 =	sor.u32 @!p1 $0x2000, s17;
	s18 =	sadd.s32 @!p1 s18, s9;
	s20 =	sadd.s32 @!p1 s19, s20  }
0x23: {  	[tilespmem:s23], [sflag:$0x1] =	stream.strided.gather @!p1 [hbm4b:s20+s21], $0x1000, s22, s21, $0x38;
	[tilespmem:$0x10100] =	vst v63  }
0x24: {  	s31 =	sadd.s32 $0xFFFFFFFF, s14;
	s17 =	sor.u32 @!p1 $0x3000, s17;
	s18 =	sadd.s32 @!p1 s19, s18  }
0x25: {  	[tilespmem:s17], [sflag:$0x1] =	stream.strided.gather @!p1 [hbm4b:s18+s21], $0x1000, s22, s21, $0x38;
	[tilespmem:$0x10100] =	vst v63  }
0x26: {  	p1 =	sge.u32 s31, s5  }
.Ltmp2:
0x27: {  	_ = 	snop;
	(pc) =	sbr.rel @p1 .LBB1_7-.Ltmp2, $1  }
0x28: {  	_ =	sdelay $0x3  }
0x29: {  	s17 =	simm.s32 $0x1;
	s19 =	sand.u32 $0x1, s14  }
0x2a: {  	_ =	swait.ge [sflag:s4], $0x4000;
	s17 =	simm.s32 @!p0 $0x0;
	s20 =	smul.u32 $0x10200, s19  }
0x2b: {  	[sflag:s4] =	ssyncset.done $0x0;
	s18 =	smul.u32 $0x10200, s17  }
0x2c: {  	s17 =	sshll.u32 s17, $0xE;
	[sflag:s4] =	ssyncadd.s32 $0xFFFFC000  }
0x2d: {  	s19 =	sor.u32 $0x10, s17;
	s31 =	sshrl.u32 s20, $0x2;
	s18 =	sshrl.u32 s18, $0x2  }
0x2e: {  	s20 =	simm.s32 $0x0;
	s17 =	sor.u32 $0x8000, s31;
	s18 =	sor.u32 $0x8000, s18  }
.LBB1_3:
0x2f: {  	v1 =	vld [tilespmem:s19+$0x0]  }
0x30: {  	v0 =	vld [tilespmem:s19+$0xFFFFFFF0];
	_ =	sdelay $0x2  }
0x31: {  	s23 =	sadd.s32 $0x0, s18  }
0x32: {  	s21 =	simm.s32 $0x4;
	s22 =	sadd.s32 $0x20, s19;
	[tilespmem:s23+$0x810 ss:$0x81] =	vst.msk $0xffff, v1  }
.LBB1_4:
0x33: {  	v1 =	vld [tilespmem:s22+$0x0];
	p1 =	sne.s32 s21, $0x1FC;
	[tilespmem:s23+$0x0 ss:$0x81] =	vst.msk $0xffff, v0;
	s23 =	smov.u32 s21;
	s21 =	sadd.s32 $0x4, s21  }
.Ltmp3:
0x34: {  	v0 =	vld [tilespmem:s22+$0xFFFFFFF0];
	(pc) =	sbr.rel @p1 .LBB1_4-.Ltmp3, $4  }
0x35: {  	_ = 	snop  }
0x36: {  	s23 =	sshra.s32 s23, $0x2  }
0x37: {  	s23 =	sadd.s32 s23, s18  }
0x38: {  	s22 =	sadd.s32 $0x20, s22;
	[tilespmem:s23+$0x810 ss:$0x81] =	vst.msk $0xffff, v1  }
0x39: {  	s20 =	sadd.s32 $0x1, s20  }
0x3a: {  	p1 =	sne.s32 s20, $0x4  }
.Ltmp4:
0x3b: {  	_ = 	snop;
	(pc) =	sbr.rel @p1 .LBB1_3-.Ltmp4, $2  }
0x3c: {  	_ =	sdelay $0x2  }
0x3d: {  	[tilespmem:s23+$0x0 ss:$0x81] =	vst.msk $0xffff, v0;
	s18 =	sadd.s32 $0x1020, s18;
	s19 =	sadd.s32 $0x1000, s19  }
0x3e: {  	s18 =	sshll.u32 s15, $0x3;
	s19 =	sand.u32 $0x78, s15;
	s16 =	sshll.u32 s16, $0x10  }
.Ltmp5:
0x3f: {  	s30 =	sand.u32 $0xF800, s15;
	s18 =	sand.u32 $0x3C00, s18;
	(pc) =	sbr.rel .LBB1_7-.Ltmp5, $4  }
0x40: {  	s31 =	sand.u32 $0x7, s15;
	s16 =	sadd.s32 s3, s16;
	s18 =	sor.u32 s19, s18  }
0x41: {  	s15 =	sshll.u32 s31, $0x12;
	s16 =	sadd.s32 s30, s16;
	s18 =	sshrl.u32 s18, $0x3  }
0x42: {  	s15 =	sor.u32 $0x400, s15;
	s16 =	sadd.s32 s18, s16  }
0x43: {  	[hbm4b:s16+s15] =	stream.strided.scatter [tilespmem:s17], [sflag:$0x2], $0x4000, s11, s15, $0x20;
	[tilespmem:$0x10100] =	vst v63  }
.LBB1_8:
0x44: {  	_ =	sfence.sel $0x180000  }
0x45: {  	s2 =	simm.s32 $0x1;
	[bflag:$0x0] =	sbarrier.arrive $0xFFFF  }
0x46: {  	s31 =	simm.s32 $0x2;
	[sflag:s2] =	ssyncpa.u1 $0x1  }
0x47: {  	[sflag:s31] =	ssyncpa.u1 $0x1  }
0x48: {  	p0 =	sne.s32 s0, $0x0;
	_ =	strace $0x9000004A  }
0x49: {  	s0 =	sadd.s32 @!p0 $0x100000, s1;
	[bflag:$0x2] =	sbarrier.arrive $0xFFFF  }
0x4a: {  	[sflag:s0] =	ssyncadd.tile.s32 @!p0 $0x1;
	_ =	shalt  }
.Lfunc_end1:
_tile_overlayer_lowered:
.L_overlay_start_2:
0x4b: {  	(tag) =	ssettag $0x2  }
0x4c: {  	s0 =	rddreg [dreg:$0x0];
	s2 =	stileid.u32  }
0x4d: {  	s1 =	rddreg [dreg:$0x1];
	p0 =	sne.s32 s2, $0x0  }
0x4e: {  	s3 =	rddreg [dreg:$0x2];
	[bflag:$0x3] =	sbarrier.arrive $0xFFFF;
	s2 =	simm.s32 @!p0 $0x1C01  }
0x4f: {  	[timem:s3], [sflag:s2] =	dma.local @!p0 [hbm:s0], s1  }
0x50: {  	s0 =	simm.s32 @!p0 $0x1  }
0x51: {  	_ =	swait.ge @!p0 [sflag:s0], s1  }
0x52: {  	s1 =	ssub.s32 @!p0 $0x0, s1;
	[sflag:s0] =	ssyncset.done @!p0 $0x0  }
0x53: {  	[sflag:s0] =	ssyncadd.s32 @!p0 s1  }
0x54: {  	[bflag:$0x3] =	sbarrier.arrive $0xFFFF  }
0x55: {  	_ =	shalt  }

</sc_bundles>
